<compile_context>
chip_gen: v7x
topology: tpu7x:2x2x1
jax: 0.10.2.dev20260603
libtpu: 0.0.44.dev20260713+nightly
codegen_flags: <defaults>
</compile_context>

<pallas_src>
import functools

import jax
import jax.numpy as jnp
from jax import lax
from jax.experimental import pallas as pl
from jax.experimental.pallas import tpu as pltpu
from jax.experimental.pallas import tpu_sc as plsc

VOCAB = 1000000
EMBED = 128
BATCH = 16384

_NC = 2
_NS = 16
_NW = _NC * _NS
_CH = 128


def _sc_gather_body(nch, idx_a_hbm, idx_b_hbm, table_hbm, out_a, out_b,
                    idx_v, rows_v, *sems):
    bpw = nch * _CH
    wid = lax.axis_index("s") * _NC + lax.axis_index("c")
    base = wid * bpw
    ia = pltpu.async_copy(idx_a_hbm.at[pl.ds(base, bpw)], idx_v.at[0], sems[0])
    ib = pltpu.async_copy(idx_b_hbm.at[pl.ds(base, bpw)], idx_v.at[1], sems[1])
    ia.wait()

    chunks = [(l, c) for l in range(2) for c in range(nch)]
    outs = (out_a, out_b)
    depth = 7
    lag = 4
    n = len(chunks)
    gathers = [None] * n
    stores = [None] * n
    for k in range(n + lag):
        if k >= depth:
            stores[k - depth].wait()
        if k < n:
            l, c = chunks[k]
            if (l, c) == (1, 0):
                ib.wait()
            gathers[k] = pltpu.async_copy(
                table_hbm.at[idx_v.at[l, pl.ds(c * _CH, _CH)]],
                rows_v.at[k % depth],
                sems[k % depth])
        j = k - lag
        if j >= 0:
            l, c = chunks[j]
            gathers[j].wait()
            stores[j] = pltpu.async_copy(
                rows_v.at[j % depth],
                outs[l].at[pl.ds(base + c * _CH, _CH)],
                sems[j % depth])
    for j in range(max(0, n - depth + lag), n):
        stores[j].wait()


def _sc_gather(idx_a, idx_b, emb):
    nrows = idx_a.shape[0]
    bpw = nrows // _NW
    nch = bpw // _CH
    mesh = plsc.VectorSubcoreMesh(core_axis_name="c", subcore_axis_name="s")
    fn = functools.partial(
        pl.kernel,
        mesh=mesh,
        out_type=[
            jax.ShapeDtypeStruct((nrows, EMBED), jnp.float32),
            jax.ShapeDtypeStruct((nrows, EMBED), jnp.float32),
        ],
        scratch_types=[
            pltpu.VMEM((2, bpw), jnp.int32),
            pltpu.VMEM((7, _CH, EMBED), jnp.float32),
            pltpu.SemaphoreType.DMA,
            pltpu.SemaphoreType.DMA,
            pltpu.SemaphoreType.DMA,
            pltpu.SemaphoreType.DMA,
            pltpu.SemaphoreType.DMA,
            pltpu.SemaphoreType.DMA,
            pltpu.SemaphoreType.DMA,
        ],
    )(functools.partial(_sc_gather_body, nch))
    return fn(idx_a, idx_b, emb)


_BB = 8192


def _mlp_body(ea_ref, eb_ref, w1_ref, b1_ref, w2_ref, b2_ref, out_ref):
    ea = ea_ref[...]
    eb = eb_ref[...]
    h = lax.dot_general(ea, w1_ref[:, :EMBED], (((1,), (1,)), ((), ())),
                        preferred_element_type=jnp.float32)
    h = h + lax.dot_general(eb, w1_ref[:, EMBED:], (((1,), (1,)), ((), ())),
                            preferred_element_type=jnp.float32)
    h = h + b1_ref[...]
    h = jnp.maximum(h, 0.0)
    out = lax.dot_general(w2_ref[...], h, (((1,), (1,)), ((), ())),
                          preferred_element_type=jnp.float32)
    out_ref[0, 0, :] = out[0, :] + b2_ref[0]


def _mlp(ea, eb, W1, b1, W2, b2):
    nrows = ea.shape[0]
    nb = nrows // _BB
    out2d = pl.pallas_call(
        _mlp_body,
        grid=(nb,),
        in_specs=[
            pl.BlockSpec((_BB, EMBED), lambda i: (i, 0)),
            pl.BlockSpec((_BB, EMBED), lambda i: (i, 0)),
            pl.BlockSpec((EMBED, 2 * EMBED), lambda i: (0, 0)),
            pl.BlockSpec((1, EMBED), lambda i: (0, 0)),
            pl.BlockSpec((1, EMBED), lambda i: (0, 0)),
            pl.BlockSpec(memory_space=pltpu.SMEM),
        ],
        out_specs=pl.BlockSpec((1, 1, _BB), lambda i: (i, 0, 0)),
        out_shape=jax.ShapeDtypeStruct((nb, 1, _BB), jnp.float32),
    )(ea, eb, W1, b1.reshape(1, EMBED), W2, b2)
    return out2d.reshape(nrows)


def kernel(idx_a, idx_b, emb, W1, b1, W2, b2):
    ea, eb = _sc_gather(idx_a, idx_b, emb)
    return _mlp(ea, eb, W1, b1, W2, b2)

# --- scband reference (transcript-rebuilt; emitter-appended) ---
"""Pipeline reference for scband-rhyme-model-68659347194063 (READ-ONLY COPY).

The authoritative reference and input builder live on the scoring server;
editing this copy changes nothing except your own understanding.
"""

import jax, jax.numpy as jnp
import numpy as np

VOCAB = 1000000
EMBED = 128
BATCH = 16384


def setup_inputs(seed: int = 0) -> dict:
    key = jax.random.key(seed)
    k1, k2, k3, k4, k5, k6, k7 = jax.random.split(key, 7)
    idx_a = jax.random.randint(k1, (BATCH,), 0, VOCAB, dtype=jnp.int64 if jax.config.jax_enable_x64 else jnp.int32).astype(jnp.int32)
    idx_b = jax.random.randint(k2, (BATCH,), 0, VOCAB, dtype=jnp.int64 if jax.config.jax_enable_x64 else jnp.int32).astype(jnp.int32)
    emb = jax.random.normal(k3, (VOCAB, EMBED), dtype=jnp.float32) * 0.02
    # Linear(embed_dim*2 -> embed_dim)
    W1 = jax.random.normal(k4, (EMBED, EMBED * 2), dtype=jnp.float32) * (1.0 / np.sqrt(EMBED * 2))
    b1 = jax.random.normal(k5, (EMBED,), dtype=jnp.float32) * 0.01
    # Linear(embed_dim -> 1)
    W2 = jax.random.normal(k6, (1, EMBED), dtype=jnp.float32) * (1.0 / np.sqrt(EMBED))
    b2 = jax.random.normal(k7, (1,), dtype=jnp.float32) * 0.01
    return {"idx_a": idx_a, "idx_b": idx_b, "emb": emb, "W1": W1, "b1": b1, "W2": W2, "b2": b2}


def reference(idx_a, idx_b, emb, W1, b1, W2, b2):
    ea = jnp.take(emb, idx_a, axis=0)  # [B, E]
    eb = jnp.take(emb, idx_b, axis=0)  # [B, E]
    h = jnp.concatenate([ea, eb], axis=-1)  # [B, 2E]
    h = h @ W1.T + b1
    h = jax.nn.relu(h)
    out = h @ W2.T + b2  # [B, 1]
    return jnp.squeeze(out, axis=-1)  # [B]

if __name__ == "__main__":
    import jax
    _d = setup_inputs()
    print(jax.jit(kernel)(*tuple(_d.values())))

</pallas_src>

<mosaic_0001>
#map = affine_map<(d0, d1) -> (0)>
#map1 = affine_map<(d0, d1) -> (0, 0)>
module attributes {stable_mosaic.version = 14 : i64} {
  func.func @_sc_gather_body(%arg0: i32, %arg1: i32, %arg2: memref<16384xi32, #tpu.memory_space<hbm>>, %arg3: memref<16384xi32, #tpu.memory_space<hbm>>, %arg4: memref<1000000x128xf32, #tpu.memory_space<hbm>>, %arg5: memref<16384x128xf32, #tpu.memory_space<hbm>>, %arg6: memref<16384x128xf32, #tpu.memory_space<hbm>>, %arg7: memref<2x512xi32, #tpu.memory_space<vmem>>, %arg8: memref<7x128x128xf32, #tpu.memory_space<vmem>>, %arg9: memref<!tpu.dma_semaphore, #tpu.memory_space<semaphore_mem>>, %arg10: memref<!tpu.dma_semaphore, #tpu.memory_space<semaphore_mem>>, %arg11: memref<!tpu.dma_semaphore, #tpu.memory_space<semaphore_mem>>, %arg12: memref<!tpu.dma_semaphore, #tpu.memory_space<semaphore_mem>>, %arg13: memref<!tpu.dma_semaphore, #tpu.memory_space<semaphore_mem>>, %arg14: memref<!tpu.dma_semaphore, #tpu.memory_space<semaphore_mem>>, %arg15: memref<!tpu.dma_semaphore, #tpu.memory_space<semaphore_mem>>) attributes {dimension_semantics = [#tpu.dimension_semantics<core_parallel>, #tpu.dimension_semantics<subcore_parallel>], iteration_bounds = array<i64: 2, 16>, scalar_prefetch = 0 : i64, scratch_operands = 9 : i64, tpu.core_type = #tpu.core_type<sc_vector_subcore>, window_params = [{transform_indices = #map}, {transform_indices = #map}, {transform_indices = #map1}, {transform_indices = #map1}, {transform_indices = #map1}]} {
    %mul3A = arith.constant 2 : i32
    %mul3A_0 = arith.muli %arg1, %mul3A : i32
    %add3A = arith.addi %mul3A_0, %arg0 : i32
    %mul3A_1 = arith.constant 512 : i32
    %mul3A_2 = arith.muli %add3A, %mul3A_1 : i32
    %dma_start3A = arith.constant 0 : i32
    %dma_start3A_3 = arith.constant 0 : i32
    %dma_start3A_4 = tpu.memref_slice %arg7[%dma_start3A, %dma_start3A_3] : memref<2x512xi32, #tpu.memory_space<vmem>> -> memref<1x512xi32, #tpu.memory_space<vmem>>
    %dma_start3A_5 = tpu.memref_squeeze %dma_start3A_4 : memref<1x512xi32, #tpu.memory_space<vmem>> -> memref<512xi32, #tpu.memory_space<vmem>>
    %dma_start3A_6 = tpu.memref_slice %arg2[%mul3A_2] : memref<16384xi32, #tpu.memory_space<hbm>> -> memref<512xi32, #tpu.memory_space<hbm>>
    %dma_start3A_7 = arith.constant 0 : i32
    %dma_start3A_8 = tpu.memref_slice %arg7[%dma_start3A, %dma_start3A_7] : memref<2x512xi32, #tpu.memory_space<vmem>> -> memref<1x512xi32, #tpu.memory_space<vmem>>
    %dma_start3A_9 = tpu.memref_squeeze %dma_start3A_8 : memref<1x512xi32, #tpu.memory_space<vmem>> -> memref<512xi32, #tpu.memory_space<vmem>>
    %dma_start3A_10 = tpu.memref_slice %arg2[%mul3A_2] : memref<16384xi32, #tpu.memory_space<hbm>> -> memref<512xi32, #tpu.memory_space<hbm>>
    tpu.enqueue_dma source(%dma_start3A_10 : memref<512xi32, #tpu.memory_space<hbm>>) target(%dma_start3A_9 : memref<512xi32, #tpu.memory_space<vmem>>) target_semaphore(%arg9 : memref<!tpu.dma_semaphore, #tpu.memory_space<semaphore_mem>>)
    %dma_start3A_11 = arith.constant 1 : i32
    %dma_start3A_12 = arith.constant 0 : i32
    %dma_start3A_13 = tpu.memref_slice %arg7[%dma_start3A_11, %dma_start3A_12] : memref<2x512xi32, #tpu.memory_space<vmem>> -> memref<1x512xi32, #tpu.memory_space<vmem>>
    %dma_start3A_14 = tpu.memref_squeeze %dma_start3A_13 : memref<1x512xi32, #tpu.memory_space<vmem>> -> memref<512xi32, #tpu.memory_space<vmem>>
    %dma_start3A_15 = tpu.memref_slice %arg3[%mul3A_2] : memref<16384xi32, #tpu.memory_space<hbm>> -> memref<512xi32, #tpu.memory_space<hbm>>
    %dma_start3A_16 = arith.constant 0 : i32
    %dma_start3A_17 = tpu.memref_slice %arg7[%dma_start3A_11, %dma_start3A_16] : memref<2x512xi32, #tpu.memory_space<vmem>> -> memref<1x512xi32, #tpu.memory_space<vmem>>
    %dma_start3A_18 = tpu.memref_squeeze %dma_start3A_17 : memref<1x512xi32, #tpu.memory_space<vmem>> -> memref<512xi32, #tpu.memory_space<vmem>>
    %dma_start3A_19 = tpu.memref_slice %arg3[%mul3A_2] : memref<16384xi32, #tpu.memory_space<hbm>> -> memref<512xi32, #tpu.memory_space<hbm>>
    tpu.enqueue_dma source(%dma_start3A_19 : memref<512xi32, #tpu.memory_space<hbm>>) target(%dma_start3A_18 : memref<512xi32, #tpu.memory_space<vmem>>) target_semaphore(%arg10 : memref<!tpu.dma_semaphore, #tpu.memory_space<semaphore_mem>>)
    %dma_wait3A = arith.constant 0 : i32
    %dma_wait3A_20 = arith.constant 0 : i32
    %dma_wait3A_21 = tpu.memref_slice %arg7[%dma_wait3A, %dma_wait3A_20] : memref<2x512xi32, #tpu.memory_space<vmem>> -> memref<1x512xi32, #tpu.memory_space<vmem>>
    %dma_wait3A_22 = tpu.memref_squeeze %dma_wait3A_21 : memref<1x512xi32, #tpu.memory_space<vmem>> -> memref<512xi32, #tpu.memory_space<vmem>>
    %dma_wait3A_23 = tpu.memref_slice %arg2[%mul3A_2] : memref<16384xi32, #tpu.memory_space<hbm>> -> memref<512xi32, #tpu.memory_space<hbm>>
    %dma_wait3A_24 = arith.constant 0 : i32
    %dma_wait3A_25 = tpu.memref_slice %arg7[%dma_wait3A, %dma_wait3A_24] : memref<2x512xi32, #tpu.memory_space<vmem>> -> memref<1x512xi32, #tpu.memory_space<vmem>>
    %dma_wait3A_26 = tpu.memref_squeeze %dma_wait3A_25 : memref<1x512xi32, #tpu.memory_space<vmem>> -> memref<512xi32, #tpu.memory_space<vmem>>
    %dma_wait3A_27 = tpu.memref_slice %arg2[%mul3A_2] : memref<16384xi32, #tpu.memory_space<hbm>> -> memref<512xi32, #tpu.memory_space<hbm>>
    tpu.wait_dma2 semaphore(%arg9 : memref<!tpu.dma_semaphore, #tpu.memory_space<semaphore_mem>>) src(%dma_wait3A_27 : memref<512xi32, #tpu.memory_space<hbm>>) dst(%dma_wait3A_26 : memref<512xi32, #tpu.memory_space<vmem>>)
    %dma_start3A_28 = arith.constant 0 : i32
    %dma_start3A_29 = arith.constant 0 : i32
    %dma_start3A_30 = arith.constant 0 : i32
    %dma_start3A_31 = arith.constant 0 : i32
    %dma_start3A_32 = tpu.memref_slice %arg8[%dma_start3A_29, %dma_start3A_30, %dma_start3A_31] : memref<7x128x128xf32, #tpu.memory_space<vmem>> -> memref<1x128x128xf32, #tpu.memory_space<vmem>>
    %dma_start3A_33 = tpu.memref_squeeze %dma_start3A_32 : memref<1x128x128xf32, #tpu.memory_space<vmem>> -> memref<128x128xf32, #tpu.memory_space<vmem>>
    %dma_start3A_34 = arith.constant 0 : i32
    %dma_start3A_35 = tpu.memref_slice %arg7[%dma_start3A_28, %dma_start3A_34] : memref<2x512xi32, #tpu.memory_space<vmem>> -> memref<1x128xi32, #tpu.memory_space<vmem>>
    %dma_start3A_36 = tpu.memref_squeeze %dma_start3A_35 : memref<1x128xi32, #tpu.memory_space<vmem>> -> memref<128xi32, #tpu.memory_space<vmem>>
    %dma_start3A_37 = arith.constant 0 : i32
    %dma_start3A_38 = arith.constant 0 : i32
    %dma_start3A_39 = tpu.memref_slice %arg4[%dma_start3A_37, %dma_start3A_38] : memref<1000000x128xf32, #tpu.memory_space<hbm>> -> memref<1000000x128xf32, #tpu.memory_space<hbm>>
    tpu.enqueue_indirect_dma source(%dma_start3A_39 : memref<1000000x128xf32, #tpu.memory_space<hbm>>) target(%dma_start3A_33 : memref<128x128xf32, #tpu.memory_space<vmem>>) offsets(%dma_start3A_36 : memref<128xi32, #tpu.memory_space<vmem>>) semaphore(%arg9 : memref<!tpu.dma_semaphore, #tpu.memory_space<semaphore_mem>>)
    %dma_start3A_40 = arith.constant 0 : i32
    %dma_start3A_41 = arith.constant 1 : i32
    %dma_start3A_42 = arith.constant 0 : i32
    %dma_start3A_43 = arith.constant 0 : i32
    %dma_start3A_44 = tpu.memref_slice %arg8[%dma_start3A_41, %dma_start3A_42, %dma_start3A_43] : memref<7x128x128xf32, #tpu.memory_space<vmem>> -> memref<1x128x128xf32, #tpu.memory_space<vmem>>
    %dma_start3A_45 = tpu.memref_squeeze %dma_start3A_44 : memref<1x128x128xf32, #tpu.memory_space<vmem>> -> memref<128x128xf32, #tpu.memory_space<vmem>>
    %dma_start3A_46 = arith.constant 128 : i32
    %dma_start3A_47 = tpu.memref_slice %arg7[%dma_start3A_40, %dma_start3A_46] : memref<2x512xi32, #tpu.memory_space<vmem>> -> memref<1x128xi32, #tpu.memory_space<vmem>>
    %dma_start3A_48 = tpu.memref_squeeze %dma_start3A_47 : memref<1x128xi32, #tpu.memory_space<vmem>> -> memref<128xi32, #tpu.memory_space<vmem>>
    %dma_start3A_49 = arith.constant 0 : i32
    %dma_start3A_50 = arith.constant 0 : i32
    %dma_start3A_51 = tpu.memref_slice %arg4[%dma_start3A_49, %dma_start3A_50] : memref<1000000x128xf32, #tpu.memory_space<hbm>> -> memref<1000000x128xf32, #tpu.memory_space<hbm>>
    tpu.enqueue_indirect_dma source(%dma_start3A_51 : memref<1000000x128xf32, #tpu.memory_space<hbm>>) target(%dma_start3A_45 : memref<128x128xf32, #tpu.memory_space<vmem>>) offsets(%dma_start3A_48 : memref<128xi32, #tpu.memory_space<vmem>>) semaphore(%arg10 : memref<!tpu.dma_semaphore, #tpu.memory_space<semaphore_mem>>)
    %dma_start3A_52 = arith.constant 0 : i32
    %dma_start3A_53 = arith.constant 2 : i32
    %dma_start3A_54 = arith.constant 0 : i32
    %dma_start3A_55 = arith.constant 0 : i32
    %dma_start3A_56 = tpu.memref_slice %arg8[%dma_start3A_53, %dma_start3A_54, %dma_start3A_55] : memref<7x128x128xf32, #tpu.memory_space<vmem>> -> memref<1x128x128xf32, #tpu.memory_space<vmem>>
    %dma_start3A_57 = tpu.memref_squeeze %dma_start3A_56 : memref<1x128x128xf32, #tpu.memory_space<vmem>> -> memref<128x128xf32, #tpu.memory_space<vmem>>
    %dma_start3A_58 = arith.constant 256 : i32
    %dma_start3A_59 = tpu.memref_slice %arg7[%dma_start3A_52, %dma_start3A_58] : memref<2x512xi32, #tpu.memory_space<vmem>> -> memref<1x128xi32, #tpu.memory_space<vmem>>
    %dma_start3A_60 = tpu.memref_squeeze %dma_start3A_59 : memref<1x128xi32, #tpu.memory_space<vmem>> -> memref<128xi32, #tpu.memory_space<vmem>>
    %dma_start3A_61 = arith.constant 0 : i32
    %dma_start3A_62 = arith.constant 0 : i32
    %dma_start3A_63 = tpu.memref_slice %arg4[%dma_start3A_61, %dma_start3A_62] : memref<1000000x128xf32, #tpu.memory_space<hbm>> -> memref<1000000x128xf32, #tpu.memory_space<hbm>>
    tpu.enqueue_indirect_dma source(%dma_start3A_63 : memref<1000000x128xf32, #tpu.memory_space<hbm>>) target(%dma_start3A_57 : memref<128x128xf32, #tpu.memory_space<vmem>>) offsets(%dma_start3A_60 : memref<128xi32, #tpu.memory_space<vmem>>) semaphore(%arg11 : memref<!tpu.dma_semaphore, #tpu.memory_space<semaphore_mem>>)
    %dma_start3A_64 = arith.constant 0 : i32
    %dma_start3A_65 = arith.constant 3 : i32
    %dma_start3A_66 = arith.constant 0 : i32
    %dma_start3A_67 = arith.constant 0 : i32
    %dma_start3A_68 = tpu.memref_slice %arg8[%dma_start3A_65, %dma_start3A_66, %dma_start3A_67] : memref<7x128x128xf32, #tpu.memory_space<vmem>> -> memref<1x128x128xf32, #tpu.memory_space<vmem>>
    %dma_start3A_69 = tpu.memref_squeeze %dma_start3A_68 : memref<1x128x128xf32, #tpu.memory_space<vmem>> -> memref<128x128xf32, #tpu.memory_space<vmem>>
    %dma_start3A_70 = arith.constant 384 : i32
    %dma_start3A_71 = tpu.memref_slice %arg7[%dma_start3A_64, %dma_start3A_70] : memref<2x512xi32, #tpu.memory_space<vmem>> -> memref<1x128xi32, #tpu.memory_space<vmem>>
    %dma_start3A_72 = tpu.memref_squeeze %dma_start3A_71 : memref<1x128xi32, #tpu.memory_space<vmem>> -> memref<128xi32, #tpu.memory_space<vmem>>
    %dma_start3A_73 = arith.constant 0 : i32
    %dma_start3A_74 = arith.constant 0 : i32
    %dma_start3A_75 = tpu.memref_slice %arg4[%dma_start3A_73, %dma_start3A_74] : memref<1000000x128xf32, #tpu.memory_space<hbm>> -> memref<1000000x128xf32, #tpu.memory_space<hbm>>
    tpu.enqueue_indirect_dma source(%dma_start3A_75 : memref<1000000x128xf32, #tpu.memory_space<hbm>>) target(%dma_start3A_69 : memref<128x128xf32, #tpu.memory_space<vmem>>) offsets(%dma_start3A_72 : memref<128xi32, #tpu.memory_space<vmem>>) semaphore(%arg12 : memref<!tpu.dma_semaphore, #tpu.memory_space<semaphore_mem>>)
    %dma_wait3A_76 = arith.constant 1 : i32
    %dma_wait3A_77 = arith.constant 0 : i32
    %dma_wait3A_78 = tpu.memref_slice %arg7[%dma_wait3A_76, %dma_wait3A_77] : memref<2x512xi32, #tpu.memory_space<vmem>> -> memref<1x512xi32, #tpu.memory_space<vmem>>
    %dma_wait3A_79 = tpu.memref_squeeze %dma_wait3A_78 : memref<1x512xi32, #tpu.memory_space<vmem>> -> memref<512xi32, #tpu.memory_space<vmem>>
    %dma_wait3A_80 = tpu.memref_slice %arg3[%mul3A_2] : memref<16384xi32, #tpu.memory_space<hbm>> -> memref<512xi32, #tpu.memory_space<hbm>>
    %dma_wait3A_81 = arith.constant 0 : i32
    %dma_wait3A_82 = tpu.memref_slice %arg7[%dma_wait3A_76, %dma_wait3A_81] : memref<2x512xi32, #tpu.memory_space<vmem>> -> memref<1x512xi32, #tpu.memory_space<vmem>>
    %dma_wait3A_83 = tpu.memref_squeeze %dma_wait3A_82 : memref<1x512xi32, #tpu.memory_space<vmem>> -> memref<512xi32, #tpu.memory_space<vmem>>
    %dma_wait3A_84 = tpu.memref_slice %arg3[%mul3A_2] : memref<16384xi32, #tpu.memory_space<hbm>> -> memref<512xi32, #tpu.memory_space<hbm>>
    tpu.wait_dma2 semaphore(%arg10 : memref<!tpu.dma_semaphore, #tpu.memory_space<semaphore_mem>>) src(%dma_wait3A_84 : memref<512xi32, #tpu.memory_space<hbm>>) dst(%dma_wait3A_83 : memref<512xi32, #tpu.memory_space<vmem>>)
    %dma_start3A_85 = arith.constant 1 : i32
    %dma_start3A_86 = arith.constant 4 : i32
    %dma_start3A_87 = arith.constant 0 : i32
    %dma_start3A_88 = arith.constant 0 : i32
    %dma_start3A_89 = tpu.memref_slice %arg8[%dma_start3A_86, %dma_start3A_87, %dma_start3A_88] : memref<7x128x128xf32, #tpu.memory_space<vmem>> -> memref<1x128x128xf32, #tpu.memory_space<vmem>>
    %dma_start3A_90 = tpu.memref_squeeze %dma_start3A_89 : memref<1x128x128xf32, #tpu.memory_space<vmem>> -> memref<128x128xf32, #tpu.memory_space<vmem>>
    %dma_start3A_91 = arith.constant 0 : i32
    %dma_start3A_92 = tpu.memref_slice %arg7[%dma_start3A_85, %dma_start3A_91] : memref<2x512xi32, #tpu.memory_space<vmem>> -> memref<1x128xi32, #tpu.memory_space<vmem>>
    %dma_start3A_93 = tpu.memref_squeeze %dma_start3A_92 : memref<1x128xi32, #tpu.memory_space<vmem>> -> memref<128xi32, #tpu.memory_space<vmem>>
    %dma_start3A_94 = arith.constant 0 : i32
    %dma_start3A_95 = arith.constant 0 : i32
    %dma_start3A_96 = tpu.memref_slice %arg4[%dma_start3A_94, %dma_start3A_95] : memref<1000000x128xf32, #tpu.memory_space<hbm>> -> memref<1000000x128xf32, #tpu.memory_space<hbm>>
    tpu.enqueue_indirect_dma source(%dma_start3A_96 : memref<1000000x128xf32, #tpu.memory_space<hbm>>) target(%dma_start3A_90 : memref<128x128xf32, #tpu.memory_space<vmem>>) offsets(%dma_start3A_93 : memref<128xi32, #tpu.memory_space<vmem>>) semaphore(%arg13 : memref<!tpu.dma_semaphore, #tpu.memory_space<semaphore_mem>>)
    %dma_wait3A_97 = arith.constant 0 : i32
    %dma_wait3A_98 = arith.constant 0 : i32
    %dma_wait3A_99 = arith.constant 0 : i32
    %dma_wait3A_100 = arith.constant 0 : i32
    %dma_wait3A_101 = tpu.memref_slice %arg8[%dma_wait3A_98, %dma_wait3A_99, %dma_wait3A_100] : memref<7x128x128xf32, #tpu.memory_space<vmem>> -> memref<1x128x128xf32, #tpu.memory_space<vmem>>
    %dma_wait3A_102 = tpu.memref_squeeze %dma_wait3A_101 : memref<1x128x128xf32, #tpu.memory_space<vmem>> -> memref<128x128xf32, #tpu.memory_space<vmem>>
    %dma_wait3A_103 = arith.constant 0 : i32
    %dma_wait3A_104 = tpu.memref_slice %arg7[%dma_wait3A_97, %dma_wait3A_103] : memref<2x512xi32, #tpu.memory_space<vmem>> -> memref<1x128xi32, #tpu.memory_space<vmem>>
    %dma_wait3A_105 = tpu.memref_squeeze %dma_wait3A_104 : memref<1x128xi32, #tpu.memory_space<vmem>> -> memref<128xi32, #tpu.memory_space<vmem>>
    %dma_wait3A_106 = arith.constant 0 : i32
    %dma_wait3A_107 = arith.constant 0 : i32
    %dma_wait3A_108 = tpu.memref_slice %arg4[%dma_wait3A_106, %dma_wait3A_107] : memref<1000000x128xf32, #tpu.memory_space<hbm>> -> memref<1000000x128xf32, #tpu.memory_space<hbm>>
    tpu.wait_indirect_dma semaphore(%arg9 : memref<!tpu.dma_semaphore, #tpu.memory_space<semaphore_mem>>) src(%dma_wait3A_108 : memref<1000000x128xf32, #tpu.memory_space<hbm>>) dst(%dma_wait3A_102 : memref<128x128xf32, #tpu.memory_space<vmem>>)
    %add3A_109 = arith.constant 0 : i32
    %add3A_110 = arith.addi %mul3A_2, %add3A_109 : i32
    %dma_start3A_111 = arith.constant 0 : i32
    %dma_start3A_112 = arith.constant 0 : i32
    %dma_start3A_113 = arith.constant 0 : i32
    %dma_start3A_114 = tpu.memref_slice %arg8[%dma_start3A_111, %dma_start3A_112, %dma_start3A_113] : memref<7x128x128xf32, #tpu.memory_space<vmem>> -> memref<1x128x128xf32, #tpu.memory_space<vmem>>
    %dma_start3A_115 = tpu.memref_squeeze %dma_start3A_114 : memref<1x128x128xf32, #tpu.memory_space<vmem>> -> memref<128x128xf32, #tpu.memory_space<vmem>>
    %dma_start3A_116 = arith.constant 0 : i32
    %dma_start3A_117 = tpu.memref_slice %arg5[%add3A_110, %dma_start3A_116] : memref<16384x128xf32, #tpu.memory_space<hbm>> -> memref<128x128xf32, #tpu.memory_space<hbm>>
    %dma_start3A_118 = arith.constant 0 : i32
    %dma_start3A_119 = tpu.memref_slice %arg5[%add3A_110, %dma_start3A_118] : memref<16384x128xf32, #tpu.memory_space<hbm>> -> memref<128x128xf32, #tpu.memory_space<hbm>>
    %dma_start3A_120 = arith.constant 0 : i32
    %dma_start3A_121 = arith.constant 0 : i32
    %dma_start3A_122 = tpu.memref_slice %arg8[%dma_start3A_111, %dma_start3A_120, %dma_start3A_121] : memref<7x128x128xf32, #tpu.memory_space<vmem>> -> memref<1x128x128xf32, #tpu.memory_space<vmem>>
    %dma_start3A_123 = tpu.memref_squeeze %dma_start3A_122 : memref<1x128x128xf32, #tpu.memory_space<vmem>> -> memref<128x128xf32, #tpu.memory_space<vmem>>
    tpu.enqueue_dma source(%dma_start3A_123 : memref<128x128xf32, #tpu.memory_space<vmem>>) target(%dma_start3A_119 : memref<128x128xf32, #tpu.memory_space<hbm>>) target_semaphore(%arg9 : memref<!tpu.dma_semaphore, #tpu.memory_space<semaphore_mem>>)
    %dma_start3A_124 = arith.constant 1 : i32
    %dma_start3A_125 = arith.constant 5 : i32
    %dma_start3A_126 = arith.constant 0 : i32
    %dma_start3A_127 = arith.constant 0 : i32
    %dma_start3A_128 = tpu.memref_slice %arg8[%dma_start3A_125, %dma_start3A_126, %dma_start3A_127] : memref<7x128x128xf32, #tpu.memory_space<vmem>> -> memref<1x128x128xf32, #tpu.memory_space<vmem>>
    %dma_start3A_129 = tpu.memref_squeeze %dma_start3A_128 : memref<1x128x128xf32, #tpu.memory_space<vmem>> -> memref<128x128xf32, #tpu.memory_space<vmem>>
    %dma_start3A_130 = arith.constant 128 : i32
    %dma_start3A_131 = tpu.memref_slice %arg7[%dma_start3A_124, %dma_start3A_130] : memref<2x512xi32, #tpu.memory_space<vmem>> -> memref<1x128xi32, #tpu.memory_space<vmem>>
    %dma_start3A_132 = tpu.memref_squeeze %dma_start3A_131 : memref<1x128xi32, #tpu.memory_space<vmem>> -> memref<128xi32, #tpu.memory_space<vmem>>
    %dma_start3A_133 = arith.constant 0 : i32
    %dma_start3A_134 = arith.constant 0 : i32
    %dma_start3A_135 = tpu.memref_slice %arg4[%dma_start3A_133, %dma_start3A_134] : memref<1000000x128xf32, #tpu.memory_space<hbm>> -> memref<1000000x128xf32, #tpu.memory_space<hbm>>
    tpu.enqueue_indirect_dma source(%dma_start3A_135 : memref<1000000x128xf32, #tpu.memory_space<hbm>>) target(%dma_start3A_129 : memref<128x128xf32, #tpu.memory_space<vmem>>) offsets(%dma_start3A_132 : memref<128xi32, #tpu.memory_space<vmem>>) semaphore(%arg14 : memref<!tpu.dma_semaphore, #tpu.memory_space<semaphore_mem>>)
    %dma_wait3A_136 = arith.constant 0 : i32
    %dma_wait3A_137 = arith.constant 1 : i32
    %dma_wait3A_138 = arith.constant 0 : i32
    %dma_wait3A_139 = arith.constant 0 : i32
    %dma_wait3A_140 = tpu.memref_slice %arg8[%dma_wait3A_137, %dma_wait3A_138, %dma_wait3A_139] : memref<7x128x128xf32, #tpu.memory_space<vmem>> -> memref<1x128x128xf32, #tpu.memory_space<vmem>>
    %dma_wait3A_141 = tpu.memref_squeeze %dma_wait3A_140 : memref<1x128x128xf32, #tpu.memory_space<vmem>> -> memref<128x128xf32, #tpu.memory_space<vmem>>
    %dma_wait3A_142 = arith.constant 128 : i32
    %dma_wait3A_143 = tpu.memref_slice %arg7[%dma_wait3A_136, %dma_wait3A_142] : memref<2x512xi32, #tpu.memory_space<vmem>> -> memref<1x128xi32, #tpu.memory_space<vmem>>
    %dma_wait3A_144 = tpu.memref_squeeze %dma_wait3A_143 : memref<1x128xi32, #tpu.memory_space<vmem>> -> memref<128xi32, #tpu.memory_space<vmem>>
    %dma_wait3A_145 = arith.constant 0 : i32
    %dma_wait3A_146 = arith.constant 0 : i32
    %dma_wait3A_147 = tpu.memref_slice %arg4[%dma_wait3A_145, %dma_wait3A_146] : memref<1000000x128xf32, #tpu.memory_space<hbm>> -> memref<1000000x128xf32, #tpu.memory_space<hbm>>
    tpu.wait_indirect_dma semaphore(%arg10 : memref<!tpu.dma_semaphore, #tpu.memory_space<semaphore_mem>>) src(%dma_wait3A_147 : memref<1000000x128xf32, #tpu.memory_space<hbm>>) dst(%dma_wait3A_141 : memref<128x128xf32, #tpu.memory_space<vmem>>)
    %add3A_148 = arith.constant 128 : i32
    %add3A_149 = arith.addi %mul3A_2, %add3A_148 : i32
    %dma_start3A_150 = arith.constant 1 : i32
    %dma_start3A_151 = arith.constant 0 : i32
    %dma_start3A_152 = arith.constant 0 : i32
    %dma_start3A_153 = tpu.memref_slice %arg8[%dma_start3A_150, %dma_start3A_151, %dma_start3A_152] : memref<7x128x128xf32, #tpu.memory_space<vmem>> -> memref<1x128x128xf32, #tpu.memory_space<vmem>>
    %dma_start3A_154 = tpu.memref_squeeze %dma_start3A_153 : memref<1x128x128xf32, #tpu.memory_space<vmem>> -> memref<128x128xf32, #tpu.memory_space<vmem>>
    %dma_start3A_155 = arith.constant 0 : i32
    %dma_start3A_156 = tpu.memref_slice %arg5[%add3A_149, %dma_start3A_155] : memref<16384x128xf32, #tpu.memory_space<hbm>> -> memref<128x128xf32, #tpu.memory_space<hbm>>
    %dma_start3A_157 = arith.constant 0 : i32
    %dma_start3A_158 = tpu.memref_slice %arg5[%add3A_149, %dma_start3A_157] : memref<16384x128xf32, #tpu.memory_space<hbm>> -> memref<128x128xf32, #tpu.memory_space<hbm>>
    %dma_start3A_159 = arith.constant 0 : i32
    %dma_start3A_160 = arith.constant 0 : i32
    %dma_start3A_161 = tpu.memref_slice %arg8[%dma_start3A_150, %dma_start3A_159, %dma_start3A_160] : memref<7x128x128xf32, #tpu.memory_space<vmem>> -> memref<1x128x128xf32, #tpu.memory_space<vmem>>
    %dma_start3A_162 = tpu.memref_squeeze %dma_start3A_161 : memref<1x128x128xf32, #tpu.memory_space<vmem>> -> memref<128x128xf32, #tpu.memory_space<vmem>>
    tpu.enqueue_dma source(%dma_start3A_162 : memref<128x128xf32, #tpu.memory_space<vmem>>) target(%dma_start3A_158 : memref<128x128xf32, #tpu.memory_space<hbm>>) target_semaphore(%arg10 : memref<!tpu.dma_semaphore, #tpu.memory_space<semaphore_mem>>)
    %dma_start3A_163 = arith.constant 1 : i32
    %dma_start3A_164 = arith.constant 6 : i32
    %dma_start3A_165 = arith.constant 0 : i32
    %dma_start3A_166 = arith.constant 0 : i32
    %dma_start3A_167 = tpu.memref_slice %arg8[%dma_start3A_164, %dma_start3A_165, %dma_start3A_166] : memref<7x128x128xf32, #tpu.memory_space<vmem>> -> memref<1x128x128xf32, #tpu.memory_space<vmem>>
    %dma_start3A_168 = tpu.memref_squeeze %dma_start3A_167 : memref<1x128x128xf32, #tpu.memory_space<vmem>> -> memref<128x128xf32, #tpu.memory_space<vmem>>
    %dma_start3A_169 = arith.constant 256 : i32
    %dma_start3A_170 = tpu.memref_slice %arg7[%dma_start3A_163, %dma_start3A_169] : memref<2x512xi32, #tpu.memory_space<vmem>> -> memref<1x128xi32, #tpu.memory_space<vmem>>
    %dma_start3A_171 = tpu.memref_squeeze %dma_start3A_170 : memref<1x128xi32, #tpu.memory_space<vmem>> -> memref<128xi32, #tpu.memory_space<vmem>>
    %dma_start3A_172 = arith.constant 0 : i32
    %dma_start3A_173 = arith.constant 0 : i32
    %dma_start3A_174 = tpu.memref_slice %arg4[%dma_start3A_172, %dma_start3A_173] : memref<1000000x128xf32, #tpu.memory_space<hbm>> -> memref<1000000x128xf32, #tpu.memory_space<hbm>>
    tpu.enqueue_indirect_dma source(%dma_start3A_174 : memref<1000000x128xf32, #tpu.memory_space<hbm>>) target(%dma_start3A_168 : memref<128x128xf32, #tpu.memory_space<vmem>>) offsets(%dma_start3A_171 : memref<128xi32, #tpu.memory_space<vmem>>) semaphore(%arg15 : memref<!tpu.dma_semaphore, #tpu.memory_space<semaphore_mem>>)
    %dma_wait3A_175 = arith.constant 0 : i32
    %dma_wait3A_176 = arith.constant 2 : i32
    %dma_wait3A_177 = arith.constant 0 : i32
    %dma_wait3A_178 = arith.constant 0 : i32
    %dma_wait3A_179 = tpu.memref_slice %arg8[%dma_wait3A_176, %dma_wait3A_177, %dma_wait3A_178] : memref<7x128x128xf32, #tpu.memory_space<vmem>> -> memref<1x128x128xf32, #tpu.memory_space<vmem>>
    %dma_wait3A_180 = tpu.memref_squeeze %dma_wait3A_179 : memref<1x128x128xf32, #tpu.memory_space<vmem>> -> memref<128x128xf32, #tpu.memory_space<vmem>>
    %dma_wait3A_181 = arith.constant 256 : i32
    %dma_wait3A_182 = tpu.memref_slice %arg7[%dma_wait3A_175, %dma_wait3A_181] : memref<2x512xi32, #tpu.memory_space<vmem>> -> memref<1x128xi32, #tpu.memory_space<vmem>>
    %dma_wait3A_183 = tpu.memref_squeeze %dma_wait3A_182 : memref<1x128xi32, #tpu.memory_space<vmem>> -> memref<128xi32, #tpu.memory_space<vmem>>
    %dma_wait3A_184 = arith.constant 0 : i32
    %dma_wait3A_185 = arith.constant 0 : i32
    %dma_wait3A_186 = tpu.memref_slice %arg4[%dma_wait3A_184, %dma_wait3A_185] : memref<1000000x128xf32, #tpu.memory_space<hbm>> -> memref<1000000x128xf32, #tpu.memory_space<hbm>>
    tpu.wait_indirect_dma semaphore(%arg11 : memref<!tpu.dma_semaphore, #tpu.memory_space<semaphore_mem>>) src(%dma_wait3A_186 : memref<1000000x128xf32, #tpu.memory_space<hbm>>) dst(%dma_wait3A_180 : memref<128x128xf32, #tpu.memory_space<vmem>>)
    %add3A_187 = arith.constant 256 : i32
    %add3A_188 = arith.addi %mul3A_2, %add3A_187 : i32
    %dma_start3A_189 = arith.constant 2 : i32
    %dma_start3A_190 = arith.constant 0 : i32
    %dma_start3A_191 = arith.constant 0 : i32
    %dma_start3A_192 = tpu.memref_slice %arg8[%dma_start3A_189, %dma_start3A_190, %dma_start3A_191] : memref<7x128x128xf32, #tpu.memory_space<vmem>> -> memref<1x128x128xf32, #tpu.memory_space<vmem>>
    %dma_start3A_193 = tpu.memref_squeeze %dma_start3A_192 : memref<1x128x128xf32, #tpu.memory_space<vmem>> -> memref<128x128xf32, #tpu.memory_space<vmem>>
    %dma_start3A_194 = arith.constant 0 : i32
    %dma_start3A_195 = tpu.memref_slice %arg5[%add3A_188, %dma_start3A_194] : memref<16384x128xf32, #tpu.memory_space<hbm>> -> memref<128x128xf32, #tpu.memory_space<hbm>>
    %dma_start3A_196 = arith.constant 0 : i32
    %dma_start3A_197 = tpu.memref_slice %arg5[%add3A_188, %dma_start3A_196] : memref<16384x128xf32, #tpu.memory_space<hbm>> -> memref<128x128xf32, #tpu.memory_space<hbm>>
    %dma_start3A_198 = arith.constant 0 : i32
    %dma_start3A_199 = arith.constant 0 : i32
    %dma_start3A_200 = tpu.memref_slice %arg8[%dma_start3A_189, %dma_start3A_198, %dma_start3A_199] : memref<7x128x128xf32, #tpu.memory_space<vmem>> -> memref<1x128x128xf32, #tpu.memory_space<vmem>>
    %dma_start3A_201 = tpu.memref_squeeze %dma_start3A_200 : memref<1x128x128xf32, #tpu.memory_space<vmem>> -> memref<128x128xf32, #tpu.memory_space<vmem>>
    tpu.enqueue_dma source(%dma_start3A_201 : memref<128x128xf32, #tpu.memory_space<vmem>>) target(%dma_start3A_197 : memref<128x128xf32, #tpu.memory_space<hbm>>) target_semaphore(%arg11 : memref<!tpu.dma_semaphore, #tpu.memory_space<semaphore_mem>>)
    %dma_wait3A_202 = arith.constant 0 : i32
    %dma_wait3A_203 = arith.constant 0 : i32
    %dma_wait3A_204 = arith.constant 0 : i32
    %dma_wait3A_205 = tpu.memref_slice %arg8[%dma_wait3A_202, %dma_wait3A_203, %dma_wait3A_204] : memref<7x128x128xf32, #tpu.memory_space<vmem>> -> memref<1x128x128xf32, #tpu.memory_space<vmem>>
    %dma_wait3A_206 = tpu.memref_squeeze %dma_wait3A_205 : memref<1x128x128xf32, #tpu.memory_space<vmem>> -> memref<128x128xf32, #tpu.memory_space<vmem>>
    %dma_wait3A_207 = arith.constant 0 : i32
    %dma_wait3A_208 = tpu.memref_slice %arg5[%add3A_110, %dma_wait3A_207] : memref<16384x128xf32, #tpu.memory_space<hbm>> -> memref<128x128xf32, #tpu.memory_space<hbm>>
    %dma_wait3A_209 = arith.constant 0 : i32
    %dma_wait3A_210 = tpu.memref_slice %arg5[%add3A_110, %dma_wait3A_209] : memref<16384x128xf32, #tpu.memory_space<hbm>> -> memref<128x128xf32, #tpu.memory_space<hbm>>
    %dma_wait3A_211 = arith.constant 0 : i32
    %dma_wait3A_212 = arith.constant 0 : i32
    %dma_wait3A_213 = tpu.memref_slice %arg8[%dma_wait3A_202, %dma_wait3A_211, %dma_wait3A_212] : memref<7x128x128xf32, #tpu.memory_space<vmem>> -> memref<1x128x128xf32, #tpu.memory_space<vmem>>
    %dma_wait3A_214 = tpu.memref_squeeze %dma_wait3A_213 : memref<1x128x128xf32, #tpu.memory_space<vmem>> -> memref<128x128xf32, #tpu.memory_space<vmem>>
    tpu.wait_dma2 semaphore(%arg9 : memref<!tpu.dma_semaphore, #tpu.memory_space<semaphore_mem>>) src(%dma_wait3A_214 : memref<128x128xf32, #tpu.memory_space<vmem>>) dst(%dma_wait3A_210 : memref<128x128xf32, #tpu.memory_space<hbm>>)
    %dma_start3A_215 = arith.constant 1 : i32
    %dma_start3A_216 = arith.constant 0 : i32
    %dma_start3A_217 = arith.constant 0 : i32
    %dma_start3A_218 = arith.constant 0 : i32
    %dma_start3A_219 = tpu.memref_slice %arg8[%dma_start3A_216, %dma_start3A_217, %dma_start3A_218] : memref<7x128x128xf32, #tpu.memory_space<vmem>> -> memref<1x128x128xf32, #tpu.memory_space<vmem>>
    %dma_start3A_220 = tpu.memref_squeeze %dma_start3A_219 : memref<1x128x128xf32, #tpu.memory_space<vmem>> -> memref<128x128xf32, #tpu.memory_space<vmem>>
    %dma_start3A_221 = arith.constant 384 : i32
    %dma_start3A_222 = tpu.memref_slice %arg7[%dma_start3A_215, %dma_start3A_221] : memref<2x512xi32, #tpu.memory_space<vmem>> -> memref<1x128xi32, #tpu.memory_space<vmem>>
    %dma_start3A_223 = tpu.memref_squeeze %dma_start3A_222 : memref<1x128xi32, #tpu.memory_space<vmem>> -> memref<128xi32, #tpu.memory_space<vmem>>
    %dma_start3A_224 = arith.constant 0 : i32
    %dma_start3A_225 = arith.constant 0 : i32
    %dma_start3A_226 = tpu.memref_slice %arg4[%dma_start3A_224, %dma_start3A_225] : memref<1000000x128xf32, #tpu.memory_space<hbm>> -> memref<1000000x128xf32, #tpu.memory_space<hbm>>
    tpu.enqueue_indirect_dma source(%dma_start3A_226 : memref<1000000x128xf32, #tpu.memory_space<hbm>>) target(%dma_start3A_220 : memref<128x128xf32, #tpu.memory_space<vmem>>) offsets(%dma_start3A_223 : memref<128xi32, #tpu.memory_space<vmem>>) semaphore(%arg9 : memref<!tpu.dma_semaphore, #tpu.memory_space<semaphore_mem>>)
    %dma_wait3A_227 = arith.constant 0 : i32
    %dma_wait3A_228 = arith.constant 3 : i32
    %dma_wait3A_229 = arith.constant 0 : i32
    %dma_wait3A_230 = arith.constant 0 : i32
    %dma_wait3A_231 = tpu.memref_slice %arg8[%dma_wait3A_228, %dma_wait3A_229, %dma_wait3A_230] : memref<7x128x128xf32, #tpu.memory_space<vmem>> -> memref<1x128x128xf32, #tpu.memory_space<vmem>>
    %dma_wait3A_232 = tpu.memref_squeeze %dma_wait3A_231 : memref<1x128x128xf32, #tpu.memory_space<vmem>> -> memref<128x128xf32, #tpu.memory_space<vmem>>
    %dma_wait3A_233 = arith.constant 384 : i32
    %dma_wait3A_234 = tpu.memref_slice %arg7[%dma_wait3A_227, %dma_wait3A_233] : memref<2x512xi32, #tpu.memory_space<vmem>> -> memref<1x128xi32, #tpu.memory_space<vmem>>
    %dma_wait3A_235 = tpu.memref_squeeze %dma_wait3A_234 : memref<1x128xi32, #tpu.memory_space<vmem>> -> memref<128xi32, #tpu.memory_space<vmem>>
    %dma_wait3A_236 = arith.constant 0 : i32
    %dma_wait3A_237 = arith.constant 0 : i32
    %dma_wait3A_238 = tpu.memref_slice %arg4[%dma_wait3A_236, %dma_wait3A_237] : memref<1000000x128xf32, #tpu.memory_space<hbm>> -> memref<1000000x128xf32, #tpu.memory_space<hbm>>
    tpu.wait_indirect_dma semaphore(%arg12 : memref<!tpu.dma_semaphore, #tpu.memory_space<semaphore_mem>>) src(%dma_wait3A_238 : memref<1000000x128xf32, #tpu.memory_space<hbm>>) dst(%dma_wait3A_232 : memref<128x128xf32, #tpu.memory_space<vmem>>)
    %add3A_239 = arith.constant 384 : i32
    %add3A_240 = arith.addi %mul3A_2, %add3A_239 : i32
    %dma_start3A_241 = arith.constant 3 : i32
    %dma_start3A_242 = arith.constant 0 : i32
    %dma_start3A_243 = arith.constant 0 : i32
    %dma_start3A_244 = tpu.memref_slice %arg8[%dma_start3A_241, %dma_start3A_242, %dma_start3A_243] : memref<7x128x128xf32, #tpu.memory_space<vmem>> -> memref<1x128x128xf32, #tpu.memory_space<vmem>>
    %dma_start3A_245 = tpu.memref_squeeze %dma_start3A_244 : memref<1x128x128xf32, #tpu.memory_space<vmem>> -> memref<128x128xf32, #tpu.memory_space<vmem>>
    %dma_start3A_246 = arith.constant 0 : i32
    %dma_start3A_247 = tpu.memref_slice %arg5[%add3A_240, %dma_start3A_246] : memref<16384x128xf32, #tpu.memory_space<hbm>> -> memref<128x128xf32, #tpu.memory_space<hbm>>
    %dma_start3A_248 = arith.constant 0 : i32
    %dma_start3A_249 = tpu.memref_slice %arg5[%add3A_240, %dma_start3A_248] : memref<16384x128xf32, #tpu.memory_space<hbm>> -> memref<128x128xf32, #tpu.memory_space<hbm>>
    %dma_start3A_250 = arith.constant 0 : i32
    %dma_start3A_251 = arith.constant 0 : i32
    %dma_start3A_252 = tpu.memref_slice %arg8[%dma_start3A_241, %dma_start3A_250, %dma_start3A_251] : memref<7x128x128xf32, #tpu.memory_space<vmem>> -> memref<1x128x128xf32, #tpu.memory_space<vmem>>
    %dma_start3A_253 = tpu.memref_squeeze %dma_start3A_252 : memref<1x128x128xf32, #tpu.memory_space<vmem>> -> memref<128x128xf32, #tpu.memory_space<vmem>>
    tpu.enqueue_dma source(%dma_start3A_253 : memref<128x128xf32, #tpu.memory_space<vmem>>) target(%dma_start3A_249 : memref<128x128xf32, #tpu.memory_space<hbm>>) target_semaphore(%arg12 : memref<!tpu.dma_semaphore, #tpu.memory_space<semaphore_mem>>)
    %dma_wait3A_254 = arith.constant 1 : i32
    %dma_wait3A_255 = arith.constant 0 : i32
    %dma_wait3A_256 = arith.constant 0 : i32
    %dma_wait3A_257 = tpu.memref_slice %arg8[%dma_wait3A_254, %dma_wait3A_255, %dma_wait3A_256] : memref<7x128x128xf32, #tpu.memory_space<vmem>> -> memref<1x128x128xf32, #tpu.memory_space<vmem>>
    %dma_wait3A_258 = tpu.memref_squeeze %dma_wait3A_257 : memref<1x128x128xf32, #tpu.memory_space<vmem>> -> memref<128x128xf32, #tpu.memory_space<vmem>>
    %dma_wait3A_259 = arith.constant 0 : i32
    %dma_wait3A_260 = tpu.memref_slice %arg5[%add3A_149, %dma_wait3A_259] : memref<16384x128xf32, #tpu.memory_space<hbm>> -> memref<128x128xf32, #tpu.memory_space<hbm>>
    %dma_wait3A_261 = arith.constant 0 : i32
    %dma_wait3A_262 = tpu.memref_slice %arg5[%add3A_149, %dma_wait3A_261] : memref<16384x128xf32, #tpu.memory_space<hbm>> -> memref<128x128xf32, #tpu.memory_space<hbm>>
    %dma_wait3A_263 = arith.constant 0 : i32
    %dma_wait3A_264 = arith.constant 0 : i32
    %dma_wait3A_265 = tpu.memref_slice %arg8[%dma_wait3A_254, %dma_wait3A_263, %dma_wait3A_264] : memref<7x128x128xf32, #tpu.memory_space<vmem>> -> memref<1x128x128xf32, #tpu.memory_space<vmem>>
    %dma_wait3A_266 = tpu.memref_squeeze %dma_wait3A_265 : memref<1x128x128xf32, #tpu.memory_space<vmem>> -> memref<128x128xf32, #tpu.memory_space<vmem>>
    tpu.wait_dma2 semaphore(%arg10 : memref<!tpu.dma_semaphore, #tpu.memory_space<semaphore_mem>>) src(%dma_wait3A_266 : memref<128x128xf32, #tpu.memory_space<vmem>>) dst(%dma_wait3A_262 : memref<128x128xf32, #tpu.memory_space<hbm>>)
    %dma_wait3A_267 = arith.constant 1 : i32
    %dma_wait3A_268 = arith.constant 4 : i32
    %dma_wait3A_269 = arith.constant 0 : i32
    %dma_wait3A_270 = arith.constant 0 : i32
    %dma_wait3A_271 = tpu.memref_slice %arg8[%dma_wait3A_268, %dma_wait3A_269, %dma_wait3A_270] : memref<7x128x128xf32, #tpu.memory_space<vmem>> -> memref<1x128x128xf32, #tpu.memory_space<vmem>>
    %dma_wait3A_272 = tpu.memref_squeeze %dma_wait3A_271 : memref<1x128x128xf32, #tpu.memory_space<vmem>> -> memref<128x128xf32, #tpu.memory_space<vmem>>
    %dma_wait3A_273 = arith.constant 0 : i32
    %dma_wait3A_274 = tpu.memref_slice %arg7[%dma_wait3A_267, %dma_wait3A_273] : memref<2x512xi32, #tpu.memory_space<vmem>> -> memref<1x128xi32, #tpu.memory_space<vmem>>
    %dma_wait3A_275 = tpu.memref_squeeze %dma_wait3A_274 : memref<1x128xi32, #tpu.memory_space<vmem>> -> memref<128xi32, #tpu.memory_space<vmem>>
    %dma_wait3A_276 = arith.constant 0 : i32
    %dma_wait3A_277 = arith.constant 0 : i32
    %dma_wait3A_278 = tpu.memref_slice %arg4[%dma_wait3A_276, %dma_wait3A_277] : memref<1000000x128xf32, #tpu.memory_space<hbm>> -> memref<1000000x128xf32, #tpu.memory_space<hbm>>
    tpu.wait_indirect_dma semaphore(%arg13 : memref<!tpu.dma_semaphore, #tpu.memory_space<semaphore_mem>>) src(%dma_wait3A_278 : memref<1000000x128xf32, #tpu.memory_space<hbm>>) dst(%dma_wait3A_272 : memref<128x128xf32, #tpu.memory_space<vmem>>)
    %add3A_279 = arith.constant 0 : i32
    %add3A_280 = arith.addi %mul3A_2, %add3A_279 : i32
    %dma_start3A_281 = arith.constant 4 : i32
    %dma_start3A_282 = arith.constant 0 : i32
    %dma_start3A_283 = arith.constant 0 : i32
    %dma_start3A_284 = tpu.memref_slice %arg8[%dma_start3A_281, %dma_start3A_282, %dma_start3A_283] : memref<7x128x128xf32, #tpu.memory_space<vmem>> -> memref<1x128x128xf32, #tpu.memory_space<vmem>>
    %dma_start3A_285 = tpu.memref_squeeze %dma_start3A_284 : memref<1x128x128xf32, #tpu.memory_space<vmem>> -> memref<128x128xf32, #tpu.memory_space<vmem>>
    %dma_start3A_286 = arith.constant 0 : i32
    %dma_start3A_287 = tpu.memref_slice %arg6[%add3A_280, %dma_start3A_286] : memref<16384x128xf32, #tpu.memory_space<hbm>> -> memref<128x128xf32, #tpu.memory_space<hbm>>
    %dma_start3A_288 = arith.constant 0 : i32
    %dma_start3A_289 = tpu.memref_slice %arg6[%add3A_280, %dma_start3A_288] : memref<16384x128xf32, #tpu.memory_space<hbm>> -> memref<128x128xf32, #tpu.memory_space<hbm>>
    %dma_start3A_290 = arith.constant 0 : i32
    %dma_start3A_291 = arith.constant 0 : i32
    %dma_start3A_292 = tpu.memref_slice %arg8[%dma_start3A_281, %dma_start3A_290, %dma_start3A_291] : memref<7x128x128xf32, #tpu.memory_space<vmem>> -> memref<1x128x128xf32, #tpu.memory_space<vmem>>
    %dma_start3A_293 = tpu.memref_squeeze %dma_start3A_292 : memref<1x128x128xf32, #tpu.memory_space<vmem>> -> memref<128x128xf32, #tpu.memory_space<vmem>>
    tpu.enqueue_dma source(%dma_start3A_293 : memref<128x128xf32, #tpu.memory_space<vmem>>) target(%dma_start3A_289 : memref<128x128xf32, #tpu.memory_space<hbm>>) target_semaphore(%arg13 : memref<!tpu.dma_semaphore, #tpu.memory_space<semaphore_mem>>)
    %dma_wait3A_294 = arith.constant 2 : i32
    %dma_wait3A_295 = arith.constant 0 : i32
    %dma_wait3A_296 = arith.constant 0 : i32
    %dma_wait3A_297 = tpu.memref_slice %arg8[%dma_wait3A_294, %dma_wait3A_295, %dma_wait3A_296] : memref<7x128x128xf32, #tpu.memory_space<vmem>> -> memref<1x128x128xf32, #tpu.memory_space<vmem>>
    %dma_wait3A_298 = tpu.memref_squeeze %dma_wait3A_297 : memref<1x128x128xf32, #tpu.memory_space<vmem>> -> memref<128x128xf32, #tpu.memory_space<vmem>>
    %dma_wait3A_299 = arith.constant 0 : i32
    %dma_wait3A_300 = tpu.memref_slice %arg5[%add3A_188, %dma_wait3A_299] : memref<16384x128xf32, #tpu.memory_space<hbm>> -> memref<128x128xf32, #tpu.memory_space<hbm>>
    %dma_wait3A_301 = arith.constant 0 : i32
    %dma_wait3A_302 = tpu.memref_slice %arg5[%add3A_188, %dma_wait3A_301] : memref<16384x128xf32, #tpu.memory_space<hbm>> -> memref<128x128xf32, #tpu.memory_space<hbm>>
    %dma_wait3A_303 = arith.constant 0 : i32
    %dma_wait3A_304 = arith.constant 0 : i32
    %dma_wait3A_305 = tpu.memref_slice %arg8[%dma_wait3A_294, %dma_wait3A_303, %dma_wait3A_304] : memref<7x128x128xf32, #tpu.memory_space<vmem>> -> memref<1x128x128xf32, #tpu.memory_space<vmem>>
    %dma_wait3A_306 = tpu.memref_squeeze %dma_wait3A_305 : memref<1x128x128xf32, #tpu.memory_space<vmem>> -> memref<128x128xf32, #tpu.memory_space<vmem>>
    tpu.wait_dma2 semaphore(%arg11 : memref<!tpu.dma_semaphore, #tpu.memory_space<semaphore_mem>>) src(%dma_wait3A_306 : memref<128x128xf32, #tpu.memory_space<vmem>>) dst(%dma_wait3A_302 : memref<128x128xf32, #tpu.memory_space<hbm>>)
    %dma_wait3A_307 = arith.constant 1 : i32
    %dma_wait3A_308 = arith.constant 5 : i32
    %dma_wait3A_309 = arith.constant 0 : i32
    %dma_wait3A_310 = arith.constant 0 : i32
    %dma_wait3A_311 = tpu.memref_slice %arg8[%dma_wait3A_308, %dma_wait3A_309, %dma_wait3A_310] : memref<7x128x128xf32, #tpu.memory_space<vmem>> -> memref<1x128x128xf32, #tpu.memory_space<vmem>>
    %dma_wait3A_312 = tpu.memref_squeeze %dma_wait3A_311 : memref<1x128x128xf32, #tpu.memory_space<vmem>> -> memref<128x128xf32, #tpu.memory_space<vmem>>
    %dma_wait3A_313 = arith.constant 128 : i32
    %dma_wait3A_314 = tpu.memref_slice %arg7[%dma_wait3A_307, %dma_wait3A_313] : memref<2x512xi32, #tpu.memory_space<vmem>> -> memref<1x128xi32, #tpu.memory_space<vmem>>
    %dma_wait3A_315 = tpu.memref_squeeze %dma_wait3A_314 : memref<1x128xi32, #tpu.memory_space<vmem>> -> memref<128xi32, #tpu.memory_space<vmem>>
    %dma_wait3A_316 = arith.constant 0 : i32
    %dma_wait3A_317 = arith.constant 0 : i32
    %dma_wait3A_318 = tpu.memref_slice %arg4[%dma_wait3A_316, %dma_wait3A_317] : memref<1000000x128xf32, #tpu.memory_space<hbm>> -> memref<1000000x128xf32, #tpu.memory_space<hbm>>
    tpu.wait_indirect_dma semaphore(%arg14 : memref<!tpu.dma_semaphore, #tpu.memory_space<semaphore_mem>>) src(%dma_wait3A_318 : memref<1000000x128xf32, #tpu.memory_space<hbm>>) dst(%dma_wait3A_312 : memref<128x128xf32, #tpu.memory_space<vmem>>)
    %add3A_319 = arith.constant 128 : i32
    %add3A_320 = arith.addi %mul3A_2, %add3A_319 : i32
    %dma_start3A_321 = arith.constant 5 : i32
    %dma_start3A_322 = arith.constant 0 : i32
    %dma_start3A_323 = arith.constant 0 : i32
    %dma_start3A_324 = tpu.memref_slice %arg8[%dma_start3A_321, %dma_start3A_322, %dma_start3A_323] : memref<7x128x128xf32, #tpu.memory_space<vmem>> -> memref<1x128x128xf32, #tpu.memory_space<vmem>>
    %dma_start3A_325 = tpu.memref_squeeze %dma_start3A_324 : memref<1x128x128xf32, #tpu.memory_space<vmem>> -> memref<128x128xf32, #tpu.memory_space<vmem>>
    %dma_start3A_326 = arith.constant 0 : i32
    %dma_start3A_327 = tpu.memref_slice %arg6[%add3A_320, %dma_start3A_326] : memref<16384x128xf32, #tpu.memory_space<hbm>> -> memref<128x128xf32, #tpu.memory_space<hbm>>
    %dma_start3A_328 = arith.constant 0 : i32
    %dma_start3A_329 = tpu.memref_slice %arg6[%add3A_320, %dma_start3A_328] : memref<16384x128xf32, #tpu.memory_space<hbm>> -> memref<128x128xf32, #tpu.memory_space<hbm>>
    %dma_start3A_330 = arith.constant 0 : i32
    %dma_start3A_331 = arith.constant 0 : i32
    %dma_start3A_332 = tpu.memref_slice %arg8[%dma_start3A_321, %dma_start3A_330, %dma_start3A_331] : memref<7x128x128xf32, #tpu.memory_space<vmem>> -> memref<1x128x128xf32, #tpu.memory_space<vmem>>
    %dma_start3A_333 = tpu.memref_squeeze %dma_start3A_332 : memref<1x128x128xf32, #tpu.memory_space<vmem>> -> memref<128x128xf32, #tpu.memory_space<vmem>>
    tpu.enqueue_dma source(%dma_start3A_333 : memref<128x128xf32, #tpu.memory_space<vmem>>) target(%dma_start3A_329 : memref<128x128xf32, #tpu.memory_space<hbm>>) target_semaphore(%arg14 : memref<!tpu.dma_semaphore, #tpu.memory_space<semaphore_mem>>)
    %dma_wait3A_334 = arith.constant 3 : i32
    %dma_wait3A_335 = arith.constant 0 : i32
    %dma_wait3A_336 = arith.constant 0 : i32
    %dma_wait3A_337 = tpu.memref_slice %arg8[%dma_wait3A_334, %dma_wait3A_335, %dma_wait3A_336] : memref<7x128x128xf32, #tpu.memory_space<vmem>> -> memref<1x128x128xf32, #tpu.memory_space<vmem>>
    %dma_wait3A_338 = tpu.memref_squeeze %dma_wait3A_337 : memref<1x128x128xf32, #tpu.memory_space<vmem>> -> memref<128x128xf32, #tpu.memory_space<vmem>>
    %dma_wait3A_339 = arith.constant 0 : i32
    %dma_wait3A_340 = tpu.memref_slice %arg5[%add3A_240, %dma_wait3A_339] : memref<16384x128xf32, #tpu.memory_space<hbm>> -> memref<128x128xf32, #tpu.memory_space<hbm>>
    %dma_wait3A_341 = arith.constant 0 : i32
    %dma_wait3A_342 = tpu.memref_slice %arg5[%add3A_240, %dma_wait3A_341] : memref<16384x128xf32, #tpu.memory_space<hbm>> -> memref<128x128xf32, #tpu.memory_space<hbm>>
    %dma_wait3A_343 = arith.constant 0 : i32
    %dma_wait3A_344 = arith.constant 0 : i32
    %dma_wait3A_345 = tpu.memref_slice %arg8[%dma_wait3A_334, %dma_wait3A_343, %dma_wait3A_344] : memref<7x128x128xf32, #tpu.memory_space<vmem>> -> memref<1x128x128xf32, #tpu.memory_space<vmem>>
    %dma_wait3A_346 = tpu.memref_squeeze %dma_wait3A_345 : memref<1x128x128xf32, #tpu.memory_space<vmem>> -> memref<128x128xf32, #tpu.memory_space<vmem>>
    tpu.wait_dma2 semaphore(%arg12 : memref<!tpu.dma_semaphore, #tpu.memory_space<semaphore_mem>>) src(%dma_wait3A_346 : memref<128x128xf32, #tpu.memory_space<vmem>>) dst(%dma_wait3A_342 : memref<128x128xf32, #tpu.memory_space<hbm>>)
    %dma_wait3A_347 = arith.constant 1 : i32
    %dma_wait3A_348 = arith.constant 6 : i32
    %dma_wait3A_349 = arith.constant 0 : i32
    %dma_wait3A_350 = arith.constant 0 : i32
    %dma_wait3A_351 = tpu.memref_slice %arg8[%dma_wait3A_348, %dma_wait3A_349, %dma_wait3A_350] : memref<7x128x128xf32, #tpu.memory_space<vmem>> -> memref<1x128x128xf32, #tpu.memory_space<vmem>>
    %dma_wait3A_352 = tpu.memref_squeeze %dma_wait3A_351 : memref<1x128x128xf32, #tpu.memory_space<vmem>> -> memref<128x128xf32, #tpu.memory_space<vmem>>
    %dma_wait3A_353 = arith.constant 256 : i32
    %dma_wait3A_354 = tpu.memref_slice %arg7[%dma_wait3A_347, %dma_wait3A_353] : memref<2x512xi32, #tpu.memory_space<vmem>> -> memref<1x128xi32, #tpu.memory_space<vmem>>
    %dma_wait3A_355 = tpu.memref_squeeze %dma_wait3A_354 : memref<1x128xi32, #tpu.memory_space<vmem>> -> memref<128xi32, #tpu.memory_space<vmem>>
    %dma_wait3A_356 = arith.constant 0 : i32
    %dma_wait3A_357 = arith.constant 0 : i32
    %dma_wait3A_358 = tpu.memref_slice %arg4[%dma_wait3A_356, %dma_wait3A_357] : memref<1000000x128xf32, #tpu.memory_space<hbm>> -> memref<1000000x128xf32, #tpu.memory_space<hbm>>
    tpu.wait_indirect_dma semaphore(%arg15 : memref<!tpu.dma_semaphore, #tpu.memory_space<semaphore_mem>>) src(%dma_wait3A_358 : memref<1000000x128xf32, #tpu.memory_space<hbm>>) dst(%dma_wait3A_352 : memref<128x128xf32, #tpu.memory_space<vmem>>)
    %add3A_359 = arith.constant 256 : i32
    %add3A_360 = arith.addi %mul3A_2, %add3A_359 : i32
    %dma_start3A_361 = arith.constant 6 : i32
    %dma_start3A_362 = arith.constant 0 : i32
    %dma_start3A_363 = arith.constant 0 : i32
    %dma_start3A_364 = tpu.memref_slice %arg8[%dma_start3A_361, %dma_start3A_362, %dma_start3A_363] : memref<7x128x128xf32, #tpu.memory_space<vmem>> -> memref<1x128x128xf32, #tpu.memory_space<vmem>>
    %dma_start3A_365 = tpu.memref_squeeze %dma_start3A_364 : memref<1x128x128xf32, #tpu.memory_space<vmem>> -> memref<128x128xf32, #tpu.memory_space<vmem>>
    %dma_start3A_366 = arith.constant 0 : i32
    %dma_start3A_367 = tpu.memref_slice %arg6[%add3A_360, %dma_start3A_366] : memref<16384x128xf32, #tpu.memory_space<hbm>> -> memref<128x128xf32, #tpu.memory_space<hbm>>
    %dma_start3A_368 = arith.constant 0 : i32
    %dma_start3A_369 = tpu.memref_slice %arg6[%add3A_360, %dma_start3A_368] : memref<16384x128xf32, #tpu.memory_space<hbm>> -> memref<128x128xf32, #tpu.memory_space<hbm>>
    %dma_start3A_370 = arith.constant 0 : i32
    %dma_start3A_371 = arith.constant 0 : i32
    %dma_start3A_372 = tpu.memref_slice %arg8[%dma_start3A_361, %dma_start3A_370, %dma_start3A_371] : memref<7x128x128xf32, #tpu.memory_space<vmem>> -> memref<1x128x128xf32, #tpu.memory_space<vmem>>
    %dma_start3A_373 = tpu.memref_squeeze %dma_start3A_372 : memref<1x128x128xf32, #tpu.memory_space<vmem>> -> memref<128x128xf32, #tpu.memory_space<vmem>>
    tpu.enqueue_dma source(%dma_start3A_373 : memref<128x128xf32, #tpu.memory_space<vmem>>) target(%dma_start3A_369 : memref<128x128xf32, #tpu.memory_space<hbm>>) target_semaphore(%arg15 : memref<!tpu.dma_semaphore, #tpu.memory_space<semaphore_mem>>)
    %dma_wait3A_374 = arith.constant 4 : i32
    %dma_wait3A_375 = arith.constant 0 : i32
    %dma_wait3A_376 = arith.constant 0 : i32
    %dma_wait3A_377 = tpu.memref_slice %arg8[%dma_wait3A_374, %dma_wait3A_375, %dma_wait3A_376] : memref<7x128x128xf32, #tpu.memory_space<vmem>> -> memref<1x128x128xf32, #tpu.memory_space<vmem>>
    %dma_wait3A_378 = tpu.memref_squeeze %dma_wait3A_377 : memref<1x128x128xf32, #tpu.memory_space<vmem>> -> memref<128x128xf32, #tpu.memory_space<vmem>>
    %dma_wait3A_379 = arith.constant 0 : i32
    %dma_wait3A_380 = tpu.memref_slice %arg6[%add3A_280, %dma_wait3A_379] : memref<16384x128xf32, #tpu.memory_space<hbm>> -> memref<128x128xf32, #tpu.memory_space<hbm>>
    %dma_wait3A_381 = arith.constant 0 : i32
    %dma_wait3A_382 = tpu.memref_slice %arg6[%add3A_280, %dma_wait3A_381] : memref<16384x128xf32, #tpu.memory_space<hbm>> -> memref<128x128xf32, #tpu.memory_space<hbm>>
    %dma_wait3A_383 = arith.constant 0 : i32
    %dma_wait3A_384 = arith.constant 0 : i32
    %dma_wait3A_385 = tpu.memref_slice %arg8[%dma_wait3A_374, %dma_wait3A_383, %dma_wait3A_384] : memref<7x128x128xf32, #tpu.memory_space<vmem>> -> memref<1x128x128xf32, #tpu.memory_space<vmem>>
    %dma_wait3A_386 = tpu.memref_squeeze %dma_wait3A_385 : memref<1x128x128xf32, #tpu.memory_space<vmem>> -> memref<128x128xf32, #tpu.memory_space<vmem>>
    tpu.wait_dma2 semaphore(%arg13 : memref<!tpu.dma_semaphore, #tpu.memory_space<semaphore_mem>>) src(%dma_wait3A_386 : memref<128x128xf32, #tpu.memory_space<vmem>>) dst(%dma_wait3A_382 : memref<128x128xf32, #tpu.memory_space<hbm>>)
    %dma_wait3A_387 = arith.constant 1 : i32
    %dma_wait3A_388 = arith.constant 0 : i32
    %dma_wait3A_389 = arith.constant 0 : i32
    %dma_wait3A_390 = arith.constant 0 : i32
    %dma_wait3A_391 = tpu.memref_slice %arg8[%dma_wait3A_388, %dma_wait3A_389, %dma_wait3A_390] : memref<7x128x128xf32, #tpu.memory_space<vmem>> -> memref<1x128x128xf32, #tpu.memory_space<vmem>>
    %dma_wait3A_392 = tpu.memref_squeeze %dma_wait3A_391 : memref<1x128x128xf32, #tpu.memory_space<vmem>> -> memref<128x128xf32, #tpu.memory_space<vmem>>
    %dma_wait3A_393 = arith.constant 384 : i32
    %dma_wait3A_394 = tpu.memref_slice %arg7[%dma_wait3A_387, %dma_wait3A_393] : memref<2x512xi32, #tpu.memory_space<vmem>> -> memref<1x128xi32, #tpu.memory_space<vmem>>
    %dma_wait3A_395 = tpu.memref_squeeze %dma_wait3A_394 : memref<1x128xi32, #tpu.memory_space<vmem>> -> memref<128xi32, #tpu.memory_space<vmem>>
    %dma_wait3A_396 = arith.constant 0 : i32
    %dma_wait3A_397 = arith.constant 0 : i32
    %dma_wait3A_398 = tpu.memref_slice %arg4[%dma_wait3A_396, %dma_wait3A_397] : memref<1000000x128xf32, #tpu.memory_space<hbm>> -> memref<1000000x128xf32, #tpu.memory_space<hbm>>
    tpu.wait_indirect_dma semaphore(%arg9 : memref<!tpu.dma_semaphore, #tpu.memory_space<semaphore_mem>>) src(%dma_wait3A_398 : memref<1000000x128xf32, #tpu.memory_space<hbm>>) dst(%dma_wait3A_392 : memref<128x128xf32, #tpu.memory_space<vmem>>)
    %add3A_399 = arith.constant 384 : i32
    %add3A_400 = arith.addi %mul3A_2, %add3A_399 : i32
    %dma_start3A_401 = arith.constant 0 : i32
    %dma_start3A_402 = arith.constant 0 : i32
    %dma_start3A_403 = arith.constant 0 : i32
    %dma_start3A_404 = tpu.memref_slice %arg8[%dma_start3A_401, %dma_start3A_402, %dma_start3A_403] : memref<7x128x128xf32, #tpu.memory_space<vmem>> -> memref<1x128x128xf32, #tpu.memory_space<vmem>>
    %dma_start3A_405 = tpu.memref_squeeze %dma_start3A_404 : memref<1x128x128xf32, #tpu.memory_space<vmem>> -> memref<128x128xf32, #tpu.memory_space<vmem>>
    %dma_start3A_406 = arith.constant 0 : i32
    %dma_start3A_407 = tpu.memref_slice %arg6[%add3A_400, %dma_start3A_406] : memref<16384x128xf32, #tpu.memory_space<hbm>> -> memref<128x128xf32, #tpu.memory_space<hbm>>
    %dma_start3A_408 = arith.constant 0 : i32
    %dma_start3A_409 = tpu.memref_slice %arg6[%add3A_400, %dma_start3A_408] : memref<16384x128xf32, #tpu.memory_space<hbm>> -> memref<128x128xf32, #tpu.memory_space<hbm>>
    %dma_start3A_410 = arith.constant 0 : i32
    %dma_start3A_411 = arith.constant 0 : i32
    %dma_start3A_412 = tpu.memref_slice %arg8[%dma_start3A_401, %dma_start3A_410, %dma_start3A_411] : memref<7x128x128xf32, #tpu.memory_space<vmem>> -> memref<1x128x128xf32, #tpu.memory_space<vmem>>
    %dma_start3A_413 = tpu.memref_squeeze %dma_start3A_412 : memref<1x128x128xf32, #tpu.memory_space<vmem>> -> memref<128x128xf32, #tpu.memory_space<vmem>>
    tpu.enqueue_dma source(%dma_start3A_413 : memref<128x128xf32, #tpu.memory_space<vmem>>) target(%dma_start3A_409 : memref<128x128xf32, #tpu.memory_space<hbm>>) target_semaphore(%arg9 : memref<!tpu.dma_semaphore, #tpu.memory_space<semaphore_mem>>)
    %dma_wait3A_414 = arith.constant 5 : i32
    %dma_wait3A_415 = arith.constant 0 : i32
    %dma_wait3A_416 = arith.constant 0 : i32
    %dma_wait3A_417 = tpu.memref_slice %arg8[%dma_wait3A_414, %dma_wait3A_415, %dma_wait3A_416] : memref<7x128x128xf32, #tpu.memory_space<vmem>> -> memref<1x128x128xf32, #tpu.memory_space<vmem>>
    %dma_wait3A_418 = tpu.memref_squeeze %dma_wait3A_417 : memref<1x128x128xf32, #tpu.memory_space<vmem>> -> memref<128x128xf32, #tpu.memory_space<vmem>>
    %dma_wait3A_419 = arith.constant 0 : i32
    %dma_wait3A_420 = tpu.memref_slice %arg6[%add3A_320, %dma_wait3A_419] : memref<16384x128xf32, #tpu.memory_space<hbm>> -> memref<128x128xf32, #tpu.memory_space<hbm>>
    %dma_wait3A_421 = arith.constant 0 : i32
    %dma_wait3A_422 = tpu.memref_slice %arg6[%add3A_320, %dma_wait3A_421] : memref<16384x128xf32, #tpu.memory_space<hbm>> -> memref<128x128xf32, #tpu.memory_space<hbm>>
    %dma_wait3A_423 = arith.constant 0 : i32
    %dma_wait3A_424 = arith.constant 0 : i32
    %dma_wait3A_425 = tpu.memref_slice %arg8[%dma_wait3A_414, %dma_wait3A_423, %dma_wait3A_424] : memref<7x128x128xf32, #tpu.memory_space<vmem>> -> memref<1x128x128xf32, #tpu.memory_space<vmem>>
    %dma_wait3A_426 = tpu.memref_squeeze %dma_wait3A_425 : memref<1x128x128xf32, #tpu.memory_space<vmem>> -> memref<128x128xf32, #tpu.memory_space<vmem>>
    tpu.wait_dma2 semaphore(%arg14 : memref<!tpu.dma_semaphore, #tpu.memory_space<semaphore_mem>>) src(%dma_wait3A_426 : memref<128x128xf32, #tpu.memory_space<vmem>>) dst(%dma_wait3A_422 : memref<128x128xf32, #tpu.memory_space<hbm>>)
    %dma_wait3A_427 = arith.constant 6 : i32
    %dma_wait3A_428 = arith.constant 0 : i32
    %dma_wait3A_429 = arith.constant 0 : i32
    %dma_wait3A_430 = tpu.memref_slice %arg8[%dma_wait3A_427, %dma_wait3A_428, %dma_wait3A_429] : memref<7x128x128xf32, #tpu.memory_space<vmem>> -> memref<1x128x128xf32, #tpu.memory_space<vmem>>
    %dma_wait3A_431 = tpu.memref_squeeze %dma_wait3A_430 : memref<1x128x128xf32, #tpu.memory_space<vmem>> -> memref<128x128xf32, #tpu.memory_space<vmem>>
    %dma_wait3A_432 = arith.constant 0 : i32
    %dma_wait3A_433 = tpu.memref_slice %arg6[%add3A_360, %dma_wait3A_432] : memref<16384x128xf32, #tpu.memory_space<hbm>> -> memref<128x128xf32, #tpu.memory_space<hbm>>
    %dma_wait3A_434 = arith.constant 0 : i32
    %dma_wait3A_435 = tpu.memref_slice %arg6[%add3A_360, %dma_wait3A_434] : memref<16384x128xf32, #tpu.memory_space<hbm>> -> memref<128x128xf32, #tpu.memory_space<hbm>>
    %dma_wait3A_436 = arith.constant 0 : i32
    %dma_wait3A_437 = arith.constant 0 : i32
    %dma_wait3A_438 = tpu.memref_slice %arg8[%dma_wait3A_427, %dma_wait3A_436, %dma_wait3A_437] : memref<7x128x128xf32, #tpu.memory_space<vmem>> -> memref<1x128x128xf32, #tpu.memory_space<vmem>>
    %dma_wait3A_439 = tpu.memref_squeeze %dma_wait3A_438 : memref<1x128x128xf32, #tpu.memory_space<vmem>> -> memref<128x128xf32, #tpu.memory_space<vmem>>
    tpu.wait_dma2 semaphore(%arg15 : memref<!tpu.dma_semaphore, #tpu.memory_space<semaphore_mem>>) src(%dma_wait3A_439 : memref<128x128xf32, #tpu.memory_space<vmem>>) dst(%dma_wait3A_435 : memref<128x128xf32, #tpu.memory_space<hbm>>)
    %dma_wait3A_440 = arith.constant 0 : i32
    %dma_wait3A_441 = arith.constant 0 : i32
    %dma_wait3A_442 = arith.constant 0 : i32
    %dma_wait3A_443 = tpu.memref_slice %arg8[%dma_wait3A_440, %dma_wait3A_441, %dma_wait3A_442] : memref<7x128x128xf32, #tpu.memory_space<vmem>> -> memref<1x128x128xf32, #tpu.memory_space<vmem>>
    %dma_wait3A_444 = tpu.memref_squeeze %dma_wait3A_443 : memref<1x128x128xf32, #tpu.memory_space<vmem>> -> memref<128x128xf32, #tpu.memory_space<vmem>>
    %dma_wait3A_445 = arith.constant 0 : i32
    %dma_wait3A_446 = tpu.memref_slice %arg6[%add3A_400, %dma_wait3A_445] : memref<16384x128xf32, #tpu.memory_space<hbm>> -> memref<128x128xf32, #tpu.memory_space<hbm>>
    %dma_wait3A_447 = arith.constant 0 : i32
    %dma_wait3A_448 = tpu.memref_slice %arg6[%add3A_400, %dma_wait3A_447] : memref<16384x128xf32, #tpu.memory_space<hbm>> -> memref<128x128xf32, #tpu.memory_space<hbm>>
    %dma_wait3A_449 = arith.constant 0 : i32
    %dma_wait3A_450 = arith.constant 0 : i32
    %dma_wait3A_451 = tpu.memref_slice %arg8[%dma_wait3A_440, %dma_wait3A_449, %dma_wait3A_450] : memref<7x128x128xf32, #tpu.memory_space<vmem>> -> memref<1x128x128xf32, #tpu.memory_space<vmem>>
    %dma_wait3A_452 = tpu.memref_squeeze %dma_wait3A_451 : memref<1x128x128xf32, #tpu.memory_space<vmem>> -> memref<128x128xf32, #tpu.memory_space<vmem>>
    tpu.wait_dma2 semaphore(%arg9 : memref<!tpu.dma_semaphore, #tpu.memory_space<semaphore_mem>>) src(%dma_wait3A_452 : memref<128x128xf32, #tpu.memory_space<vmem>>) dst(%dma_wait3A_448 : memref<128x128xf32, #tpu.memory_space<hbm>>)
    return
  }
}

module attributes {stable_mosaic.version = 14 : i64} {
  func.func @_mlp_body(%arg0: i32, %arg1: memref<8192x128xf32, #tpu.memory_space<vmem>>, %arg2: memref<8192x128xf32, #tpu.memory_space<vmem>>, %arg3: memref<128x256xf32, #tpu.memory_space<vmem>>, %arg4: memref<1x128xf32, #tpu.memory_space<vmem>>, %arg5: memref<1x128xf32, #tpu.memory_space<vmem>>, %arg6: memref<1xf32, #tpu.memory_space<smem>>, %arg7: memref<1x1x8192xf32, #tpu.memory_space<vmem>>) attributes {dimension_semantics = [#tpu.dimension_semantics<arbitrary>], iteration_bounds = array<i64: 2>, scalar_prefetch = 0 : i64, scratch_operands = 0 : i64, tpu.core_type = #tpu.core_type<tc>, window_params = [{transform_indices = @transform_0, window_bounds = array<i64: 8192, 128>}, {transform_indices = @transform_1, window_bounds = array<i64: 8192, 128>}, {pipeline_mode = #tpu.pipeline_mode<synchronous>, transform_indices = @transform_2, window_bounds = array<i64: 128, 256>}, {pipeline_mode = #tpu.pipeline_mode<synchronous>, transform_indices = @transform_3, window_bounds = array<i64: 1, 128>}, {pipeline_mode = #tpu.pipeline_mode<synchronous>, transform_indices = @transform_4, window_bounds = array<i64: 1, 128>}, {transform_indices = @transform_5, window_bounds = array<i64: 1>}, {transform_indices = @transform_6, window_bounds = array<i64: 1, 1, 8192>}]} {
    %get3A = arith.constant 0 : index
    %get3A_0 = arith.constant 0 : index
    %get3A_1 = vector.load %arg1[%get3A, %get3A_0] : memref<8192x128xf32, #tpu.memory_space<vmem>>, vector<8192x128xf32>
    %get3A_2 = arith.constant 0 : index
    %get3A_3 = arith.constant 0 : index
    %get3A_4 = vector.load %arg2[%get3A_2, %get3A_3] : memref<8192x128xf32, #tpu.memory_space<vmem>>, vector<8192x128xf32>
    %get3A_5 = arith.constant 0 : index
    %get3A_6 = arith.constant 0 : index
    %get3A_7 = vector.load %arg3[%get3A_5, %get3A_6] : memref<128x256xf32, #tpu.memory_space<vmem>>, vector<128x128xf32>
    %dot_general3A = arith.constant dense<0.000000e+00> : vector<8192x128xf32>
    %dot_general3A_8 = tpu.matmul %get3A_1, %get3A_7, %dot_general3A {dimension_numbers = #tpu.dot_dimension_numbers<[1], [1], [0], [0], [0, 0, 1, 0], [], []>, transpose_lhs_hint = false} : vector<8192x128xf32>, vector<128x128xf32>, vector<8192x128xf32> -> vector<8192x128xf32>
    %get3A_9 = arith.constant 0 : index
    %get3A_10 = arith.constant 128 : index
    %get3A_11 = vector.load %arg3[%get3A_9, %get3A_10] : memref<128x256xf32, #tpu.memory_space<vmem>>, vector<128x128xf32>
    %dot_general3A_12 = arith.constant dense<0.000000e+00> : vector<8192x128xf32>
    %dot_general3A_13 = tpu.matmul %get3A_4, %get3A_11, %dot_general3A_12 {dimension_numbers = #tpu.dot_dimension_numbers<[1], [1], [0], [0], [0, 0, 1, 0], [], []>, transpose_lhs_hint = false} : vector<8192x128xf32>, vector<128x128xf32>, vector<8192x128xf32> -> vector<8192x128xf32>
    %add3A = arith.addf %dot_general3A_8, %dot_general3A_13 : vector<8192x128xf32>
    %get3A_14 = arith.constant 0 : index
    %get3A_15 = arith.constant 0 : index
    %get3A_16 = vector.load %arg4[%get3A_14, %get3A_15] : memref<1x128xf32, #tpu.memory_space<vmem>>, vector<1x128xf32>
    %add3A_17 = vector.broadcast %get3A_16 : vector<1x128xf32> to vector<8192x128xf32>
    %add3A_18 = arith.addf %add3A, %add3A_17 : vector<8192x128xf32>
    %max3A = arith.constant 0.000000e+00 : f32
    %max3A_19 = vector.broadcast %max3A : f32 to vector<8192x128xf32>
    %max3A_20 = arith.maximumf %add3A_18, %max3A_19 : vector<8192x128xf32>
    %get3A_21 = arith.constant 0 : index
    %get3A_22 = arith.constant 0 : index
    %get3A_23 = vector.load %arg5[%get3A_21, %get3A_22] : memref<1x128xf32, #tpu.memory_space<vmem>>, vector<1x128xf32>
    %dot_general3A_24 = arith.constant dense<0.000000e+00> : vector<1x8192xf32>
    %dot_general3A_25 = tpu.matmul %get3A_23, %max3A_20, %dot_general3A_24 {dimension_numbers = #tpu.dot_dimension_numbers<[1], [1], [0], [0], [0, 0, 1, 0], [], []>, transpose_lhs_hint = false} : vector<1x128xf32>, vector<8192x128xf32>, vector<1x8192xf32> -> vector<1x8192xf32>
    %squeeze3A = vector.shape_cast %dot_general3A_25 : vector<1x8192xf32> to vector<8192xf32>
    %get3A_26 = arith.constant 0 : index
    %get3A_27 = memref.load %arg6[%get3A_26] : memref<1xf32, #tpu.memory_space<smem>>
    %add3A_28 = vector.broadcast %get3A_27 : f32 to vector<8192xf32>
    %add3A_29 = arith.addf %squeeze3A, %add3A_28 : vector<8192xf32>
    %swap3A = arith.constant 0 : index
    %swap3A_30 = arith.constant 0 : index
    %swap3A_31 = arith.constant 0 : index
    %swap3A_32 = vector.load %arg7[%swap3A, %swap3A_30, %swap3A_31] : memref<1x1x8192xf32, #tpu.memory_space<vmem>>, vector<1x1x8192xf32>
    %swap3A_33 = vector.shape_cast %swap3A_32 : vector<1x1x8192xf32> to vector<8192xf32>
    %swap3A_34 = vector.shape_cast %add3A_29 : vector<8192xf32> to vector<1x1x8192xf32>
    tpu.vector_store %arg7[%swap3A, %swap3A_30, %swap3A_31], %swap3A_34 {strides = array<i32>} : memref<1x1x8192xf32, #tpu.memory_space<vmem>>, vector<1x1x8192xf32>,
    return
  }
  func.func @transform_0(%arg0: i32) -> (i32, i32) {
    %c0_i32 = arith.constant 0 : i32
    %c0_i32_0 = arith.constant 0 : i32
    return %arg0, %c0_i32 : i32, i32
  }
  func.func @transform_1(%arg0: i32) -> (i32, i32) {
    %c0_i32 = arith.constant 0 : i32
    %c0_i32_0 = arith.constant 0 : i32
    return %arg0, %c0_i32 : i32, i32
  }
  func.func @transform_2(%arg0: i32) -> (i32, i32) {
    %c0_i32 = arith.constant 0 : i32
    %c0_i32_0 = arith.constant 0 : i32
    %c0_i32_1 = arith.constant 0 : i32
    return %c0_i32, %c0_i32_0 : i32, i32
  }
  func.func @transform_3(%arg0: i32) -> (i32, i32) {
    %c0_i32 = arith.constant 0 : i32
    %c0_i32_0 = arith.constant 0 : i32
    %c0_i32_1 = arith.constant 0 : i32
    return %c0_i32, %c0_i32_0 : i32, i32
  }
  func.func @transform_4(%arg0: i32) -> (i32, i32) {
    %c0_i32 = arith.constant 0 : i32
    %c0_i32_0 = arith.constant 0 : i32
    %c0_i32_1 = arith.constant 0 : i32
    return %c0_i32, %c0_i32_0 : i32, i32
  }
  func.func @transform_5(%arg0: i32) -> i32 {
    %c0_i32 = arith.constant 0 : i32
    %c0_i32_0 = arith.constant 0 : i32
    return %c0_i32 : i32
  }
  func.func @transform_6(%arg0: i32) -> (i32, i32, i32) {
    %c0_i32 = arith.constant 0 : i32
    %c0_i32_0 = arith.constant 0 : i32
    %c0_i32_1 = arith.constant 0 : i32
    return %arg0, %c0_i32, %c0_i32_0 : i32, i32, i32
  }
}

</mosaic_0001>

<sc_bundles>
// kernel: kernel.4.cloned.1.call-start
scs
__scs_entry_jumppad:
0x0: {  	(pc) =	sbr.rel $0x88, $3  }
0x1: {  	(tag) =	ssettag $0x0;
	lr =	simm.s32 $0x1  }
0x2: {  	[smem:$0x3F9A] =	sst lr;
	_ =	strace $0xD0000000  }
0x3: {  	_ = 	snop  }
0x4: {  	_ = 	snop  }
0x5: {  	_ = 	snop  }
0x6: {  	_ = 	snop  }
0x7: {  	_ = 	snop  }
__scs_overlays_trampoline_lowered:
0x8: {  	[smem:$0x3FA9] =	sst s0  }
0x9: {  	[smem:$0x3FAA] =	sst s1  }
0xa: {  	[smem:$0x3FAB] =	sst s2  }
0xb: {  	[smem:$0x3FAC] =	sst s3  }
0xc: {  	[smem:$0x3FAD] =	sst s4  }
0xd: {  	[smem:$0x3FAE] =	sst s5  }
0xe: {  	[smem:$0x3FAF] =	sst s6  }
0xf: {  	[smem:$0x3FB0] =	sst s7  }
0x10: {  	[smem:$0x3FB1] =	sst s8  }
0x11: {  	[smem:$0x3FB2] =	sst s9;
	s0 =	simm.s32 @!p0 $0x0  }
0x12: {  	s1 =	sld [smem:$0x3F98];
	s0 =	simm.s32 @p0 $0x1  }
0x13: {  	[smem:$0x3FB3] =	sst s0;
	s0 =	simm.s32 @!p1 $0x0  }
0x14: {  	s2 =	sld [smem:$0x3F97];
	s0 =	simm.s32 @p1 $0x1  }
0x15: {  	[smem:$0x3FB4] =	sst s0;
	s0 =	simm.s32 @!p2 $0x0  }
0x16: {  	s3 =	sld [smem:$0x3FDB];
	s0 =	simm.s32 @p2 $0x1  }
0x17: {  	s4 =	simm.s32 $0x1BF5;
	[smem:$0x3FB6] =	sst s0  }
0x18: {  	s0 =	sld [smem:$0x3F99];
	_ =	swait.ge [sflag:s4], $0x0  }
0x19: {  	s7 =	sld [smem:$0x3F9A]  }
0x1a: {  	s8 =	sadd.s32 $0xFFFFE003, lr  }
0x1b: {  	s9 =	sadd.s32 $0xFFFFFEF7, lr;
	s5 =	simm.s32 $0xFFFFFFFF;
	p2 =	slt.u32 s8, $0xFFFFF086  }
0x1c: {  	p1 =	slt.u32 s9, $0xF7A;
	s5 =	simm.s32 @!p2 $0x0  }
0x1d: {  	s5 =	simm.s32 @p1 $0x1;
	p0 =	seq.s32 s7, s2  }
0x1e: {  	s7 =	smul.u32 @!p0 $0xF7A, s2;
	p2 =	seq.s32 @!p0 s5, $0x0  }
0x1f: {  	s9 =	smul.u32 $0xF7A, s1;
	s8 =	simm.s32 @!p0 $0x1BF5;
	p2 =	por !p2, p0  }
0x20: {  	[sflag:s8] =	ssyncset.s32 @!p0 $0xFFFFF086;
	s6 =	sadd.s32 @!p0 s3, s7;
	s7 =	simm.s32 @!p0 $0x108  }
0x21: {  	s3 =	sadd.s32 s3, s9;
	s6 =	sadd.s32 @!p0 $0x88, s6;
	s7 =	simm.s32 @p2 $0x1082  }
0x22: {  	[simem:s7], [sflag:s8] =	dma.local @!p0 [hbm:s6], $0xF7A  }
0x23: {  	s9 =	sor.u32 $0xD0000000, s2;
	s6 =	simm.s32 $0x108;
	_ =	swait.ge @!p0 [sflag:s8], $0x0  }
0x24: {  	s3 =	sadd.s32 $0x88, s3;
	s6 =	simm.s32 @!p1 $0x1082;
	[sflag:s4] =	ssyncset.s32 $0xFFFFF086  }
0x25: {  	[simem:s6], [sflag:s4] =	dma.local [hbm:s3], $0xF7A  }
0x26: {  	[smem:$0x3F9A] =	sst s1;
	(tag) =	ssettag s2;
	_ =	strace s9  }
0x27: {  	s1 =	sld [smem:$0x3FAA]  }
0x28: {  	s2 =	sld [smem:$0x3FAB]  }
0x29: {  	s4 =	sld [smem:$0x3FAD]  }
0x2a: {  	p0 =	seq.s32 s5, $0x0;
	s5 =	sld [smem:$0x3FAE]  }
0x2b: {  	s6 =	sld [smem:$0x3FAF]  }
0x2c: {  	s7 =	sld [smem:$0x3FB0]  }
0x2d: {  	s3 =	simm.s32 $0x108;
	s8 =	sld [smem:$0x3FB1]  }
0x2e: {  	s3 =	simm.s32 @!p0 $0x1082;
	s9 =	sld [smem:$0x3FB2]  }
0x2f: {  	lr =	sadd.s32 s0, s3;
	s0 =	sld [smem:$0x3FA9]  }
0x30: {  	s3 =	sld [smem:$0x3FAC]  }
0x31: {  	[smem:$0x3FB5] =	sst s10  }
0x32: {  	s10 =	sld [smem:$0x3FB3];
	_ =	sdelay $0x3  }
0x33: {  	p0 =	seq.s32 s10, $0x1;
	s10 =	sld [smem:$0x3FB5];
	_ =	sdelay $0x3  }
0x34: {  	[smem:$0x3FB5] =	sst s10  }
0x35: {  	s10 =	sld [smem:$0x3FB4];
	_ =	sdelay $0x3  }
0x36: {  	p1 =	seq.s32 s10, $0x1;
	s10 =	sld [smem:$0x3FB5];
	_ =	sdelay $0x3  }
0x37: {  	[smem:$0x3FB5] =	sst s10  }
0x38: {  	s10 =	sld [smem:$0x3FB6]  }
0x39: {  	_ = 	snop;
	(pc) =	sbr.ind lr, $3  }
0x3a: {  	_ = 	snop  }
0x3b: {  	_ = 	snop  }
0x3c: {  	p2 =	seq.s32 s10, $0x1;
	s10 =	sld [smem:$0x3FB5]  }
0x3d: {  	_ =	shalt  }
0x3e: {  	_ =	shalt  }
0x3f: {  	_ =	shalt  }
0x40: {  	_ =	shalt  }
0x41: {  	_ =	shalt  }
0x42: {  	_ =	shalt  }
0x43: {  	_ =	shalt  }
0x44: {  	_ =	shalt  }
0x45: {  	_ =	shalt  }
0x46: {  	_ =	shalt  }
0x47: {  	_ =	shalt  }
0x48: {  	_ =	shalt  }
0x49: {  	_ =	shalt  }
0x4a: {  	_ =	shalt  }
0x4b: {  	_ =	shalt  }
0x4c: {  	_ =	shalt  }
0x4d: {  	_ =	shalt  }
0x4e: {  	_ =	shalt  }
0x4f: {  	_ =	shalt  }
0x50: {  	_ =	shalt  }
0x51: {  	_ =	shalt  }
0x52: {  	_ =	shalt  }
0x53: {  	_ =	shalt  }
0x54: {  	_ =	shalt  }
0x55: {  	_ =	shalt  }
0x56: {  	_ =	shalt  }
0x57: {  	_ =	shalt  }
0x58: {  	_ =	shalt  }
0x59: {  	_ =	shalt  }
0x5a: {  	_ =	shalt  }
0x5b: {  	_ =	shalt  }
0x5c: {  	_ =	shalt  }
0x5d: {  	_ =	shalt  }
0x5e: {  	_ =	shalt  }
0x5f: {  	_ =	shalt  }
0x60: {  	_ =	shalt  }
0x61: {  	_ =	shalt  }
0x62: {  	_ =	shalt  }
0x63: {  	_ =	shalt  }
0x64: {  	_ =	shalt  }
0x65: {  	_ =	shalt  }
0x66: {  	_ =	shalt  }
0x67: {  	_ =	shalt  }
0x68: {  	_ =	shalt  }
0x69: {  	_ =	shalt  }
0x6a: {  	_ =	shalt  }
0x6b: {  	_ =	shalt  }
0x6c: {  	_ =	shalt  }
0x6d: {  	_ =	shalt  }
0x6e: {  	_ =	shalt  }
0x6f: {  	_ =	shalt  }
0x70: {  	_ =	shalt  }
0x71: {  	_ =	shalt  }
0x72: {  	_ =	shalt  }
0x73: {  	_ =	shalt  }
0x74: {  	_ =	shalt  }
0x75: {  	_ =	shalt  }
0x76: {  	_ =	shalt  }
0x77: {  	_ =	shalt  }
0x78: {  	_ =	shalt  }
0x79: {  	_ =	shalt  }
0x7a: {  	_ =	shalt  }
0x7b: {  	_ =	shalt  }
0x7c: {  	_ =	shalt  }
0x7d: {  	_ =	shalt  }
0x7e: {  	_ =	shalt  }
0x7f: {  	_ =	shalt  }
0x80: {  	_ =	shalt  }
0x81: {  	_ =	shalt  }
0x82: {  	_ =	shalt  }
0x83: {  	_ =	shalt  }
0x84: {  	_ =	shalt  }
0x85: {  	_ =	shalt  }
0x86: {  	_ =	shalt  }
0x87: {  	_ =	shalt  }
.Lfunc_end0:
.L_simem_size_0:
called_computation_lowered:
.L_overlay_start_0:
0x88: {  	s2 =	sld [smem:$0x3FD9]  }
0x89: {  	s3 =	sld [smem:$0x3FFE];
	_ =	sdelay $0x1  }
0x8a: {  	s1 =	srdreg.scid  }
0x8b: {  	s0 =	sand.u32 $0x1, s1  }
0x8c: {  	s17 =	sshll.u32 s0, $0xA;
	s2 =	sadd.s32 s3, s2  }
0x8d: {  	s2 =	sadd.s32 s2, s17  }
0x8e: {  	[smem:$0x3FC1] =	sst s2  }
0x8f: {  	_ = 	snop  }
0x90: {  	s2 =	sld [smem:$0x3FC9]  }
0x91: {  	s18 =	sld [smem:$0x3FC8]  }
0x92: {  	s4 =	sld [smem:$0x3FC7];
	(tm) =	ssettm $0x1  }
0x93: {  	s5 =	sld [smem:$0x3FFB];
	_ =	sdelay $0x3  }
0x94: {  	_ =	strace s5  }
0x95: {  	s5 =	sld [smem:$0x3FFC];
	_ =	sdelay $0x3  }
0x96: {  	_ =	strace s5  }
0x97: {  	s5 =	sld [smem:$0x3FFD];
	_ =	sdelay $0x3  }
0x98: {  	_ =	strace s5  }
0x99: {  	_ =	strace $0x8FFFFFFF  }
0x9a: {  	s19 =	sld [smem:$0x3FDB];
	_ =	sdelay $0x1  }
0x9b: {  	s6 =	simm.s32 $_scs_section_size  }
0x9c: {  	s7 =	simm.s32 $_size__tile_overlayer_lowered;
	s8 =	simm.s32 $_tile_overlayer_lowered  }
0x9d: {  	s22 =	simm.s32 $0x1BFF;
	s21 =	sshll.u32 s8, $0x1;
	s5 =	sadd.s32 s6, s19  }
0x9e: {  	s9 =	simm.s32 $0x0;
	s20 =	sshll.u32 s7, $0x1;
	s7 =	sadd.s32 s21, s5  }
0x9f: {  	[timem:s9], [sflag:s22] =	dma.local [hbm:s7], s20  }
0xa0: {  	_ =	swait.ge [sflag:s22], s20  }
0xa1: {  	s6 =	ssub.s32 $0x0, s20;
	[sflag:s22] =	ssyncset.done $0x0  }
0xa2: {  	[sflag:s22] =	ssyncadd.s32 s6;
	_ =	sdelay $0x1  }
0xa3: {  	s23 =	simm.s32 $0x1B8B  }
0xa4: {  	_ =	swait.ge [sflag:s23], $0x1  }
0xa5: {  	[sflag:s23] =	ssyncset.done $0x0  }
0xa6: {  	s25 =	simm.s32 $0x1B8E;
	s24 =	sld [smem:$0x3FFE];
	[sflag:s23] =	ssyncadd.s32 $0xFFFFFFFF  }
0xa7: {  	s26 =	simm.s32 $execute0_lowered;
	[smem:$0x3FD2] =	sst s25  }
0xa8: {  	s7 =	sshll.u32 s26, $0x1;
	_ =	strace $0x80000046;
	[dreg:$0x1] =	wrdreg $0xFFFFFFFF  }
0xa9: {  	s28 =	simm.s32 $_size_execute0_lowered;
	s5 =	sadd.s32 s5, s7;
	[dreg:$0x0] =	wrdreg $0x0  }
0xaa: {  	s7 =	sshll.u32 s28, $0x1;
	[dreg:$0x2] =	wrdreg s5  }
0xab: {  	[dreg:$0x3] =	wrdreg s7  }
0xac: {  	[dreg:$0x4] =	wrdreg $0xC0  }
0xad: {  	_ =	task [dreg:s9], $0x5FFFF  }
0xae: {  	[dreg:$0x1] =	wrdreg $0xFFFFFFFF  }
0xaf: {  	[dreg:$0x0] =	wrdreg $0x60  }
0xb0: {  	[dreg:$0x2] =	wrdreg s2  }
0xb1: {  	[dreg:$0x3] =	wrdreg s18  }
0xb2: {  	[dreg:$0x4] =	wrdreg s4  }
0xb3: {  	[dreg:$0x5] =	wrdreg s24  }
0xb4: {  	[dreg:$0x6] =	wrdreg $0x9  }
0xb5: {  	_ =	task.clear_ibuf [dreg:s9], $0x7FFFF;
	_ =	strace $0x90000046  }
0xb6: {  	s29 =	simm.s32 $0x9;
	_ =	strace $0x80000048  }
0xb7: {  	_ =	swait.ge [sflag:s29], $0x1  }
0xb8: {  	[sflag:s29] =	ssyncadd.s32 $0xFFFFFFFF  }
0xb9: {  	_ =	strace $0x90000048  }
0xba: {  	_ =	sfence  }
0xbb: {  	s30 =	sld [smem:$0x0];
	_ =	sdelay $0x2  }
0xbc: {  	s31 =	sshll.u32 s1, $0xD;
	s1 =	sshrl.u32 s1, $0x2  }
0xbd: {  	s3 =	sand.u32 $0x4000, s31;
	s1 =	sadd.s32 s1, s30  }
0xbe: {  	s0 =	sor.u32 s3, s0;
	s1 =	sshll.u32 s1, $0x11  }
0xbf: {  	s0 =	sor.u32 s1, s0  }
0xc0: {  	s0 =	sadd.s32 $0x8F2B, s0  }
0xc1: {  	[sflag:s0] =	ssyncadd.remote.s32 $0x1  }
0xc2: {  	_ =	sfence.sel $0xFFFF  }
0xc3: {  	[dreg:$0x0] =	wrdreg $0xFFFFFFFF;
	(pc) =	sbr.abs _section_cstart, $3  }
0xc4: {  	[dreg:$0x1] =	wrdreg $0xFFFFFFFF  }
0xc5: {  	_ =	task.clear_ibuf [dreg:s9], $0x2FFFF;
	_ =	strace $0x9FFFFFFF  }
0xc6: {  	(tm) =	ssettm $0x7FFFFFFF  }
0xc7: {  	_ =	shalt  }
tec
execute0_lowered:
.L_overlay_start_1:
0x0: {  	(tag) =	ssettag $0x1  }
0x1: {  	s1 =	rddreg [dreg:$0x0]  }
0x2: {  	s4 =	rddreg [dreg:$0x1]  }
0x3: {  	s2 =	srdreg.scid;
	s3 =	rddreg [dreg:$0x2]  }
0x4: {  	s0 =	stileid.u32;
	s6 =	rddreg [dreg:$0x3]  }
0x5: {  	s20 =	simm.s32 $0x180;
	s18 =	simm.s32 $0x280;
	s16 =	simm.s32 $0x380  }
0x6: {  	s21 =	simm.s32 $0x4400;
	s19 =	simm.s32 $0x8400;
	s17 =	simm.s32 $0xC400  }
0x7: {  	s15 =	simm.s32 $0x2;
	p0 =	por $0x0, $0x0;
	s5 =	sand.u32 $0x1, s2  }
0x8: {  	s7 =	sshll.u32 s0, $0xA;
	s2 =	simm.s32 $0x0;
	s22 =	sadd.s32 $0x1200, s6  }
0x9: {  	s6 =	sadd.s32 $0x41200, s6;
	s8 =	sshll.u32 s5, $0x9;
	[smem:$0x7FF] =	sst s2  }
0xa: {  	s5 =	ssub.s32 $0x2, s5;
	s7 =	sor.u32 s8, s7;
	_ =	strace $0x80000047  }
0xb: {  	s26 =	sshrl.u32 s5, $0x1;
	s9 =	sshll.u32 s7, $0x4;
	s7 =	sshrl.u32 s7, $0x3  }
0xc: {  	s5 =	ssub.s32 s5, s26;
	s26 =	simm.s32 $0x300;
	s10 =	sadd.s32 s22, s9  }
0xd: {  	s11 =	sor.u32 $0x800, s9;
	s12 =	sor.u32 $0x1000, s9;
	s13 =	sor.u32 $0x1800, s9  }
0xe: {  	s25 =	sadd.s32 s6, s9;
	s14 =	smax.u32 s5, $0x1;
	[dreg:$0x5] =	wrdreg s10  }
0xf: {  	s5 =	simm.s32 $0x400;
	s23 =	sadd.s32 s22, s11;
	[dreg:$0x9] =	wrdreg s25  }
0x10: {  	s9 =	simm.s32 $0x5;
	s24 =	sadd.s32 s22, s12;
	[dreg:$0x6] =	wrdreg s23  }
0x11: {  	s8 =	sadd.s32 s22, s13;
	s0 =	sadd.s32 s6, s11;
	[dreg:$0x7] =	wrdreg s24  }
0x12: {  	s10 =	sadd.s32 s6, s12;
	s22 =	sadd.s32 s1, s7;
	[dreg:$0x8] =	wrdreg s8  }
0x13: {  	s11 =	sadd.s32 s6, s13;
	s25 =	simm.s32 $0x200;
	[dreg:$0xa] =	wrdreg s0  }
0x14: {  	p1 =	sne.s32 s14, $0x1;
	s6 =	simm.s32 $0x7;
	[dreg:$0xb] =	wrdreg s10  }
0x15: {  	[dreg:$0xc] =	wrdreg s11;
	s12 =	sadd.s32 $0x10, s22;
	s23 =	sadd.s32 s4, s7  }
0x16: {  	s13 =	sadd.s32 $0x20, s22;
	s31 =	sadd.s32 $0x30, s22;
	s24 =	simm.s32 $0x100  }
.Ltmp0:
0x17: {  	s4 =	simm.s32 $0x1;
	s10 =	simm.s32 $0x14400;
	(pc) =	sbr.rel @!p1 .LBB2_3-.Ltmp0, $4  }
0x18: {  	s0 =	sadd.s32 $0xFFFFFFFF, s14;
	s8 =	simm.s32 $0x18400;
	s14 =	simm.s32 $0x3  }
0x19: {  	s11 =	simm.s32 $0x4;
	s7 =	simm.s32 $0x6;
	[dreg:$0xd] =	wrdreg s12  }
0x1a: {  	[dreg:$0xe] =	wrdreg s13;
	s28 =	sadd.s32 $0x10, s23;
	s29 =	sadd.s32 $0x20, s23  }
0x1b: {  	s30 =	sadd.s32 $0x30, s23;
	s13 =	simm.s32 $0x80;
	s12 =	simm.s32 $0x10400  }
0x1c: {  	[dreg:$0xf] =	wrdreg s0  }
0x1d: {  	[tilespmem:s2], [sflag:$0x1] =	stream.linear.gather [hbm4b:s22+s2], $0x80, $0x38;
	[tilespmem:$0x1C400] =	vst v63  }
0x1e: {  	s0 =	rddreg [dreg:$0xd]  }
0x1f: {  	[tilespmem:s24], [sflag:$0x1] =	stream.linear.gather [hbm4b:s0+s2], $0x80, $0x38;
	[tilespmem:$0x1C400] =	vst v63  }
0x20: {  	s1 =	rddreg [dreg:$0xe]  }
0x21: {  	[tilespmem:s25], [sflag:$0x1] =	stream.linear.gather [hbm4b:s1+s2], $0x80, $0x38;
	[tilespmem:$0x1C400] =	vst v63  }
0x22: {  	_ = 	snop  }
0x23: {  	[tilespmem:s26], [sflag:$0x1] =	stream.linear.gather [hbm4b:s31+s2], $0x80, $0x38;
	[tilespmem:$0x1C400] =	vst v63  }
0x24: {  	_ = 	snop  }
0x25: {  	[tilespmem:s13], [sflag:$0x2] =	stream.linear.gather [hbm4b:s23+s2], $0x80, $0x38;
	[tilespmem:$0x1C400] =	vst v63  }
0x26: {  	_ = 	snop  }
0x27: {  	[tilespmem:s20], [sflag:$0x2] =	stream.linear.gather [hbm4b:s28+s2], $0x80, $0x38;
	[tilespmem:$0x1C400] =	vst v63  }
0x28: {  	_ = 	snop  }
0x29: {  	[tilespmem:s18], [sflag:$0x2] =	stream.linear.gather [hbm4b:s29+s2], $0x80, $0x38;
	[tilespmem:$0x1C400] =	vst v63  }
0x2a: {  	_ = 	snop  }
0x2b: {  	[tilespmem:s16], [sflag:$0x2] =	stream.linear.gather [hbm4b:s30+s2], $0x80, $0x38;
	[tilespmem:$0x1C400] =	vst v63  }
0x2c: {  	_ =	swait.ge [sflag:s4], $0x200  }
0x2d: {  	[sflag:s4] =	ssyncset.done $0x0  }
0x2e: {  	[sflag:s4] =	ssyncadd.s32 $0xFFFFFE00  }
0x2f: {  	[tilespmem:s5], [sflag:$0x1] =	stream.indirect.gather [hbm4b:s3+s13], $0x80, s2, s13, $0xb8;
	[tilespmem:$0x1C400] =	vst v63  }
0x30: {  	_ = 	snop  }
0x31: {  	[tilespmem:s21], [sflag:$0x2] =	stream.indirect.gather [hbm4b:s3+s13], $0x80, s24, s13, $0xb8;
	[tilespmem:$0x1C400] =	vst v63  }
0x32: {  	_ = 	snop  }
0x33: {  	[tilespmem:s19], [sflag:$0x3] =	stream.indirect.gather [hbm4b:s3+s13], $0x80, s25, s13, $0xb8;
	[tilespmem:$0x1C400] =	vst v63  }
0x34: {  	_ = 	snop  }
0x35: {  	[tilespmem:s17], [sflag:$0x4] =	stream.indirect.gather [hbm4b:s3+s13], $0x80, s26, s13, $0xb8;
	[tilespmem:$0x1C400] =	vst v63  }
0x36: {  	_ =	swait.ge [sflag:s15], $0x200  }
0x37: {  	[sflag:s15] =	ssyncset.done $0x0  }
0x38: {  	[sflag:s15] =	ssyncadd.s32 $0xFFFFFE00  }
0x39: {  	[tilespmem:s12], [sflag:$0x5] =	stream.indirect.gather [hbm4b:s3+s13], $0x80, s13, s13, $0xb8;
	[tilespmem:$0x1C400] =	vst v63  }
0x3a: {  	_ =	swait.ge [sflag:s4], $0x4000  }
0x3b: {  	[sflag:s4] =	ssyncset.done $0x0  }
0x3c: {  	s1 =	rddreg [dreg:$0x5];
	[sflag:s4] =	ssyncadd.s32 $0xFFFFC000  }
0x3d: {  	[hbm4b:s1+s2] =	stream.linear.scatter [tilespmem:s5], [sflag:$0x1], $0x4000, $0x38;
	[tilespmem:$0x1C400] =	vst v63  }
0x3e: {  	_ = 	snop  }
0x3f: {  	[tilespmem:s10], [sflag:$0x6] =	stream.indirect.gather [hbm4b:s3+s13], $0x80, s20, s13, $0xb8;
	[tilespmem:$0x1C400] =	vst v63  }
0x40: {  	_ =	swait.ge [sflag:s15], $0x4000  }
0x41: {  	[sflag:s15] =	ssyncset.done $0x0  }
0x42: {  	s1 =	rddreg [dreg:$0x6];
	[sflag:s15] =	ssyncadd.s32 $0xFFFFC000  }
0x43: {  	[hbm4b:s1+s2] =	stream.linear.scatter [tilespmem:s21], [sflag:$0x2], $0x4000, $0x38;
	[tilespmem:$0x1C400] =	vst v63  }
0x44: {  	_ = 	snop  }
0x45: {  	[tilespmem:s8], [sflag:$0x7] =	stream.indirect.gather [hbm4b:s3+s13], $0x80, s18, s13, $0xb8;
	[tilespmem:$0x1C400] =	vst v63  }
0x46: {  	_ =	swait.ge [sflag:s14], $0x4000  }
0x47: {  	[sflag:s14] =	ssyncset.done $0x0  }
0x48: {  	s1 =	rddreg [dreg:$0x7];
	[sflag:s14] =	ssyncadd.s32 $0xFFFFC000  }
0x49: {  	[hbm4b:s1+s2] =	stream.linear.scatter [tilespmem:s19], [sflag:$0x3], $0x4000, $0x38;
	[tilespmem:$0x1C400] =	vst v63  }
0x4a: {  	_ =	swait.ge [sflag:s4], $0x4000  }
0x4b: {  	[sflag:s4] =	ssyncset.done $0x0  }
0x4c: {  	[sflag:s4] =	ssyncadd.s32 $0xFFFFC000  }
0x4d: {  	[tilespmem:s5], [sflag:$0x1] =	stream.indirect.gather [hbm4b:s3+s13], $0x80, s16, s13, $0xb8;
	[tilespmem:$0x1C400] =	vst v63  }
0x4e: {  	_ =	swait.ge [sflag:s11], $0x4000  }
0x4f: {  	[sflag:s11] =	ssyncset.done $0x0  }
0x50: {  	s1 =	rddreg [dreg:$0x8];
	[sflag:s11] =	ssyncadd.s32 $0xFFFFC000  }
0x51: {  	[hbm4b:s1+s2] =	stream.linear.scatter [tilespmem:s17], [sflag:$0x4], $0x4000, $0x38;
	[tilespmem:$0x1C400] =	vst v63  }
0x52: {  	_ =	swait.ge [sflag:s15], $0x4000  }
0x53: {  	[sflag:s15] =	ssyncset.done $0x0  }
0x54: {  	[sflag:s15] =	ssyncadd.s32 $0xFFFFC000  }
0x55: {  	_ =	swait.ge [sflag:s9], $0x4000  }
0x56: {  	[sflag:s9] =	ssyncset.done $0x0  }
0x57: {  	s1 =	rddreg [dreg:$0x9];
	[sflag:s9] =	ssyncadd.s32 $0xFFFFC000  }
0x58: {  	[hbm4b:s1+s2] =	stream.linear.scatter [tilespmem:s12], [sflag:$0x5], $0x4000, $0x38;
	[tilespmem:$0x1C400] =	vst v63  }
0x59: {  	_ =	swait.ge [sflag:s14], $0x4000  }
0x5a: {  	[sflag:s14] =	ssyncset.done $0x0  }
0x5b: {  	[sflag:s14] =	ssyncadd.s32 $0xFFFFC000  }
0x5c: {  	_ =	swait.ge [sflag:s7], $0x4000  }
0x5d: {  	[sflag:s7] =	ssyncset.done $0x0  }
0x5e: {  	s1 =	rddreg [dreg:$0xa];
	[sflag:s7] =	ssyncadd.s32 $0xFFFFC000  }
0x5f: {  	[hbm4b:s1+s2] =	stream.linear.scatter [tilespmem:s10], [sflag:$0x6], $0x4000, $0x38;
	[tilespmem:$0x1C400] =	vst v63  }
0x60: {  	_ =	swait.ge [sflag:s11], $0x4000  }
0x61: {  	[sflag:s11] =	ssyncset.done $0x0  }
0x62: {  	[sflag:s11] =	ssyncadd.s32 $0xFFFFC000  }
0x63: {  	_ =	swait.ge [sflag:s6], $0x4000  }
0x64: {  	[sflag:s6] =	ssyncset.done $0x0  }
0x65: {  	s1 =	rddreg [dreg:$0xb];
	[sflag:s6] =	ssyncadd.s32 $0xFFFFC000  }
0x66: {  	[hbm4b:s1+s2] =	stream.linear.scatter [tilespmem:s8], [sflag:$0x7], $0x4000, $0x38;
	[tilespmem:$0x1C400] =	vst v63  }
0x67: {  	_ =	swait.ge [sflag:s9], $0x4000  }
0x68: {  	[sflag:s9] =	ssyncset.done $0x0  }
0x69: {  	[sflag:s9] =	ssyncadd.s32 $0xFFFFC000  }
0x6a: {  	_ =	swait.ge [sflag:s4], $0x4000  }
0x6b: {  	[sflag:s4] =	ssyncset.done $0x0  }
0x6c: {  	s1 =	rddreg [dreg:$0xc];
	[sflag:s4] =	ssyncadd.s32 $0xFFFFC000  }
0x6d: {  	[hbm4b:s1+s2] =	stream.linear.scatter [tilespmem:s5], [sflag:$0x1], $0x4000, $0x38;
	[tilespmem:$0x1C400] =	vst v63  }
0x6e: {  	_ =	swait.ge [sflag:s7], $0x4000  }
0x6f: {  	[sflag:s7] =	ssyncset.done $0x0  }
0x70: {  	[sflag:s7] =	ssyncadd.s32 $0xFFFFC000  }
0x71: {  	_ =	swait.ge [sflag:s6], $0x4000  }
0x72: {  	s1 =	rddreg [dreg:$0xf]  }
0x73: {  	p1 =	sne.s32 s1, $0x1  }
.Ltmp1:
0x74: {  	_ = 	snop;
	(pc) =	sbr.rel @!p1 .LBB2_3-.Ltmp1, $4  }
0x75: {  	[sflag:s6] =	ssyncset.done $0x0  }
0x76: {  	[sflag:s6] =	ssyncadd.s32 $0xFFFFC000  }
0x77: {  	_ =	swait.ge [sflag:s4], $0x4000  }
0x78: {  	p0 =	por $0x1, $0x1;
	s1 =	sadd.s32 $0xFFFFFFFF, s1;
	[sflag:s4] =	ssyncset.done $0x0  }
.LBB2_2:
0x79: {  	[sflag:s4] =	ssyncadd.s32 $0xFFFFC000  }
0x7a: {  	[tilespmem:s2], [sflag:$0x1] =	stream.linear.gather [hbm4b:s22+s2], $0x80, $0x38;
	[tilespmem:$0x1C400] =	vst v63  }
0x7b: {  	s0 =	rddreg [dreg:$0xd]  }
0x7c: {  	[tilespmem:s24], [sflag:$0x1] =	stream.linear.gather [hbm4b:s0+s2], $0x80, $0x38;
	[tilespmem:$0x1C400] =	vst v63  }
0x7d: {  	s8 =	rddreg [dreg:$0xe]  }
0x7e: {  	[tilespmem:s25], [sflag:$0x1] =	stream.linear.gather [hbm4b:s8+s2], $0x80, $0x38;
	[tilespmem:$0x1C400] =	vst v63  }
0x7f: {  	_ = 	snop  }
0x80: {  	[tilespmem:s26], [sflag:$0x1] =	stream.linear.gather [hbm4b:s31+s2], $0x80, $0x38;
	[tilespmem:$0x1C400] =	vst v63  }
0x81: {  	_ = 	snop  }
0x82: {  	[tilespmem:s13], [sflag:$0x2] =	stream.linear.gather [hbm4b:s23+s2], $0x80, $0x38;
	[tilespmem:$0x1C400] =	vst v63  }
0x83: {  	_ = 	snop  }
0x84: {  	[tilespmem:s20], [sflag:$0x2] =	stream.linear.gather [hbm4b:s28+s2], $0x80, $0x38;
	[tilespmem:$0x1C400] =	vst v63  }
0x85: {  	_ = 	snop  }
0x86: {  	[tilespmem:s18], [sflag:$0x2] =	stream.linear.gather [hbm4b:s29+s2], $0x80, $0x38;
	[tilespmem:$0x1C400] =	vst v63  }
0x87: {  	_ = 	snop  }
0x88: {  	[tilespmem:s16], [sflag:$0x2] =	stream.linear.gather [hbm4b:s30+s2], $0x80, $0x38;
	[tilespmem:$0x1C400] =	vst v63  }
0x89: {  	_ =	swait.ge [sflag:s4], $0x200  }
0x8a: {  	[sflag:s4] =	ssyncset.done $0x0  }
0x8b: {  	[sflag:s4] =	ssyncadd.s32 $0xFFFFFE00  }
0x8c: {  	[tilespmem:s5], [sflag:$0x1] =	stream.indirect.gather [hbm4b:s3+s13], $0x80, s2, s13, $0xb8;
	[tilespmem:$0x1C400] =	vst v63  }
0x8d: {  	_ = 	snop  }
0x8e: {  	[tilespmem:s21], [sflag:$0x2] =	stream.indirect.gather [hbm4b:s3+s13], $0x80, s24, s13, $0xb8;
	[tilespmem:$0x1C400] =	vst v63  }
0x8f: {  	_ = 	snop  }
0x90: {  	[tilespmem:s19], [sflag:$0x3] =	stream.indirect.gather [hbm4b:s3+s13], $0x80, s25, s13, $0xb8;
	[tilespmem:$0x1C400] =	vst v63  }
0x91: {  	_ = 	snop  }
0x92: {  	[tilespmem:s17], [sflag:$0x4] =	stream.indirect.gather [hbm4b:s3+s13], $0x80, s26, s13, $0xb8;
	[tilespmem:$0x1C400] =	vst v63  }
0x93: {  	_ =	swait.ge [sflag:s15], $0x200  }
0x94: {  	[sflag:s15] =	ssyncset.done $0x0  }
0x95: {  	[sflag:s15] =	ssyncadd.s32 $0xFFFFFE00  }
0x96: {  	[tilespmem:s12], [sflag:$0x5] =	stream.indirect.gather [hbm4b:s3+s13], $0x80, s13, s13, $0xb8;
	[tilespmem:$0x1C400] =	vst v63  }
0x97: {  	_ =	swait.ge [sflag:s4], $0x4000  }
0x98: {  	[sflag:s4] =	ssyncset.done $0x0  }
0x99: {  	s0 =	rddreg [dreg:$0x5];
	[sflag:s4] =	ssyncadd.s32 $0xFFFFC000  }
0x9a: {  	[hbm4b:s0+s2] =	stream.linear.scatter [tilespmem:s5], [sflag:$0x1], $0x4000, $0x38;
	[tilespmem:$0x1C400] =	vst v63  }
0x9b: {  	_ = 	snop  }
0x9c: {  	[tilespmem:s10], [sflag:$0x6] =	stream.indirect.gather [hbm4b:s3+s13], $0x80, s20, s13, $0xb8;
	[tilespmem:$0x1C400] =	vst v63  }
0x9d: {  	_ =	swait.ge [sflag:s15], $0x4000  }
0x9e: {  	[sflag:s15] =	ssyncset.done $0x0  }
0x9f: {  	s0 =	rddreg [dreg:$0x6];
	[sflag:s15] =	ssyncadd.s32 $0xFFFFC000  }
0xa0: {  	[hbm4b:s0+s2] =	stream.linear.scatter [tilespmem:s21], [sflag:$0x2], $0x4000, $0x38;
	[tilespmem:$0x1C400] =	vst v63  }
0xa1: {  	s8 =	simm.s32 $0x18400  }
0xa2: {  	[tilespmem:s8], [sflag:$0x7] =	stream.indirect.gather [hbm4b:s3+s13], $0x80, s18, s13, $0xb8;
	[tilespmem:$0x1C400] =	vst v63  }
0xa3: {  	_ =	swait.ge [sflag:s14], $0x4000  }
0xa4: {  	[sflag:s14] =	ssyncset.done $0x0  }
0xa5: {  	s0 =	rddreg [dreg:$0x7];
	[sflag:s14] =	ssyncadd.s32 $0xFFFFC000  }
0xa6: {  	[hbm4b:s0+s2] =	stream.linear.scatter [tilespmem:s19], [sflag:$0x3], $0x4000, $0x38;
	[tilespmem:$0x1C400] =	vst v63  }
0xa7: {  	_ =	swait.ge [sflag:s4], $0x4000  }
0xa8: {  	[sflag:s4] =	ssyncset.done $0x0  }
0xa9: {  	[sflag:s4] =	ssyncadd.s32 $0xFFFFC000  }
0xaa: {  	[tilespmem:s5], [sflag:$0x1] =	stream.indirect.gather [hbm4b:s3+s13], $0x80, s16, s13, $0xb8;
	[tilespmem:$0x1C400] =	vst v63  }
0xab: {  	_ =	swait.ge [sflag:s11], $0x4000  }
0xac: {  	[sflag:s11] =	ssyncset.done $0x0  }
0xad: {  	s0 =	rddreg [dreg:$0x8];
	[sflag:s11] =	ssyncadd.s32 $0xFFFFC000  }
0xae: {  	[hbm4b:s0+s2] =	stream.linear.scatter [tilespmem:s17], [sflag:$0x4], $0x4000, $0x38;
	[tilespmem:$0x1C400] =	vst v63  }
0xaf: {  	_ =	swait.ge [sflag:s15], $0x4000  }
0xb0: {  	[sflag:s15] =	ssyncset.done $0x0  }
0xb1: {  	[sflag:s15] =	ssyncadd.s32 $0xFFFFC000  }
0xb2: {  	_ =	swait.ge [sflag:s9], $0x4000  }
0xb3: {  	[sflag:s9] =	ssyncset.done $0x0  }
0xb4: {  	s0 =	rddreg [dreg:$0x9];
	[sflag:s9] =	ssyncadd.s32 $0xFFFFC000  }
0xb5: {  	[hbm4b:s0+s2] =	stream.linear.scatter [tilespmem:s12], [sflag:$0x5], $0x4000, $0x38;
	[tilespmem:$0x1C400] =	vst v63  }
0xb6: {  	_ =	swait.ge [sflag:s14], $0x4000  }
0xb7: {  	[sflag:s14] =	ssyncset.done $0x0  }
0xb8: {  	[sflag:s14] =	ssyncadd.s32 $0xFFFFC000  }
0xb9: {  	_ =	swait.ge [sflag:s7], $0x4000  }
0xba: {  	[sflag:s7] =	ssyncset.done $0x0  }
0xbb: {  	s0 =	rddreg [dreg:$0xa];
	[sflag:s7] =	ssyncadd.s32 $0xFFFFC000  }
0xbc: {  	[hbm4b:s0+s2] =	stream.linear.scatter [tilespmem:s10], [sflag:$0x6], $0x4000, $0x38;
	[tilespmem:$0x1C400] =	vst v63  }
0xbd: {  	_ =	swait.ge [sflag:s11], $0x4000  }
0xbe: {  	[sflag:s11] =	ssyncset.done $0x0  }
0xbf: {  	[sflag:s11] =	ssyncadd.s32 $0xFFFFC000  }
0xc0: {  	_ =	swait.ge [sflag:s6], $0x4000  }
0xc1: {  	[sflag:s6] =	ssyncset.done $0x0  }
0xc2: {  	s0 =	rddreg [dreg:$0xb];
	[sflag:s6] =	ssyncadd.s32 $0xFFFFC000  }
0xc3: {  	[hbm4b:s0+s2] =	stream.linear.scatter [tilespmem:s8], [sflag:$0x7], $0x4000, $0x38;
	[tilespmem:$0x1C400] =	vst v63  }
0xc4: {  	_ =	swait.ge [sflag:s9], $0x4000  }
0xc5: {  	[sflag:s9] =	ssyncset.done $0x0  }
0xc6: {  	[sflag:s9] =	ssyncadd.s32 $0xFFFFC000  }
0xc7: {  	_ =	swait.ge [sflag:s4], $0x4000  }
0xc8: {  	[sflag:s4] =	ssyncset.done $0x0  }
0xc9: {  	s0 =	rddreg [dreg:$0xc];
	[sflag:s4] =	ssyncadd.s32 $0xFFFFC000  }
0xca: {  	[hbm4b:s0+s2] =	stream.linear.scatter [tilespmem:s5], [sflag:$0x1], $0x4000, $0x38;
	[tilespmem:$0x1C400] =	vst v63  }
0xcb: {  	_ =	swait.ge [sflag:s7], $0x4000  }
0xcc: {  	[sflag:s7] =	ssyncset.done $0x0  }
0xcd: {  	p1 =	sne.s32 s1, $0x1;
	[sflag:s7] =	ssyncadd.s32 $0xFFFFC000  }
.Ltmp2:
0xce: {  	_ =	swait.ge [sflag:s6], $0x4000;
	(pc) =	sbr.rel @p1 .LBB2_2-.Ltmp2, $4  }
0xcf: {  	[sflag:s6] =	ssyncset.done $0x0  }
0xd0: {  	[sflag:s6] =	ssyncadd.s32 $0xFFFFC000  }
0xd1: {  	_ =	swait.ge [sflag:s4], $0x4000  }
0xd2: {  	s1 =	sadd.s32 $0xFFFFFFFF, s1;
	[sflag:s4] =	ssyncset.done $0x0  }
.LBB2_3:
0xd3: {  	[sflag:s4] =	ssyncadd.s32 @p0 $0xFFFFC000  }
0xd4: {  	[tilespmem:s2], [sflag:$0x1] =	stream.linear.gather [hbm4b:s22+s2], $0x80, $0x38;
	[tilespmem:$0x1C400] =	vst v63  }
0xd5: {  	s0 =	rddreg [dreg:$0xd]  }
0xd6: {  	[tilespmem:s24], [sflag:$0x1] =	stream.linear.gather [hbm4b:s0+s2], $0x80, $0x38;
	[tilespmem:$0x1C400] =	vst v63  }
0xd7: {  	s1 =	rddreg [dreg:$0xe]  }
0xd8: {  	[tilespmem:s25], [sflag:$0x1] =	stream.linear.gather [hbm4b:s1+s2], $0x80, $0x38;
	[tilespmem:$0x1C400] =	vst v63  }
0xd9: {  	_ = 	snop  }
0xda: {  	[tilespmem:s26], [sflag:$0x1] =	stream.linear.gather [hbm4b:s31+s2], $0x80, $0x38;
	[tilespmem:$0x1C400] =	vst v63  }
0xdb: {  	_ = 	snop  }
0xdc: {  	[tilespmem:s13], [sflag:$0x2] =	stream.linear.gather [hbm4b:s23+s2], $0x80, $0x38;
	[tilespmem:$0x1C400] =	vst v63  }
0xdd: {  	_ = 	snop  }
0xde: {  	[tilespmem:s20], [sflag:$0x2] =	stream.linear.gather [hbm4b:s28+s2], $0x80, $0x38;
	[tilespmem:$0x1C400] =	vst v63  }
0xdf: {  	_ = 	snop  }
0xe0: {  	[tilespmem:s18], [sflag:$0x2] =	stream.linear.gather [hbm4b:s29+s2], $0x80, $0x38;
	[tilespmem:$0x1C400] =	vst v63  }
0xe1: {  	_ = 	snop  }
0xe2: {  	[tilespmem:s16], [sflag:$0x2] =	stream.linear.gather [hbm4b:s30+s2], $0x80, $0x38;
	[tilespmem:$0x1C400] =	vst v63  }
0xe3: {  	_ =	swait.ge [sflag:s4], $0x200  }
0xe4: {  	[sflag:s4] =	ssyncset.done $0x0  }
0xe5: {  	[sflag:s4] =	ssyncadd.s32 $0xFFFFFE00  }
0xe6: {  	[tilespmem:s5], [sflag:$0x1] =	stream.indirect.gather [hbm4b:s3+s13], $0x80, s2, s13, $0xb8;
	[tilespmem:$0x1C400] =	vst v63  }
0xe7: {  	_ = 	snop  }
0xe8: {  	[tilespmem:s21], [sflag:$0x2] =	stream.indirect.gather [hbm4b:s3+s13], $0x80, s24, s13, $0xb8;
	[tilespmem:$0x1C400] =	vst v63  }
0xe9: {  	_ = 	snop  }
0xea: {  	[tilespmem:s19], [sflag:$0x3] =	stream.indirect.gather [hbm4b:s3+s13], $0x80, s25, s13, $0xb8;
	[tilespmem:$0x1C400] =	vst v63  }
0xeb: {  	_ = 	snop  }
0xec: {  	[tilespmem:s17], [sflag:$0x4] =	stream.indirect.gather [hbm4b:s3+s13], $0x80, s26, s13, $0xb8;
	[tilespmem:$0x1C400] =	vst v63  }
0xed: {  	_ =	swait.ge [sflag:s15], $0x200  }
0xee: {  	[sflag:s15] =	ssyncset.done $0x0  }
0xef: {  	[sflag:s15] =	ssyncadd.s32 $0xFFFFFE00  }
0xf0: {  	[tilespmem:s12], [sflag:$0x5] =	stream.indirect.gather [hbm4b:s3+s13], $0x80, s13, s13, $0xb8;
	[tilespmem:$0x1C400] =	vst v63  }
0xf1: {  	_ =	swait.ge [sflag:s4], $0x4000  }
0xf2: {  	[sflag:s4] =	ssyncset.done $0x0  }
0xf3: {  	s22 =	rddreg [dreg:$0x5];
	[sflag:s4] =	ssyncadd.s32 $0xFFFFC000  }
0xf4: {  	[hbm4b:s22+s2] =	stream.linear.scatter [tilespmem:s5], [sflag:$0x1], $0x4000, $0x38;
	[tilespmem:$0x1C400] =	vst v63  }
0xf5: {  	_ = 	snop  }
0xf6: {  	[tilespmem:s10], [sflag:$0x6] =	stream.indirect.gather [hbm4b:s3+s13], $0x80, s20, s13, $0xb8;
	[tilespmem:$0x1C400] =	vst v63  }
0xf7: {  	_ =	swait.ge [sflag:s15], $0x4000  }
0xf8: {  	[sflag:s15] =	ssyncset.done $0x0  }
0xf9: {  	s23 =	rddreg [dreg:$0x6];
	[sflag:s15] =	ssyncadd.s32 $0xFFFFC000  }
0xfa: {  	[hbm4b:s23+s2] =	stream.linear.scatter [tilespmem:s21], [sflag:$0x2], $0x4000, $0x38;
	[tilespmem:$0x1C400] =	vst v63  }
0xfb: {  	_ = 	snop  }
0xfc: {  	[tilespmem:s8], [sflag:$0x7] =	stream.indirect.gather [hbm4b:s3+s13], $0x80, s18, s13, $0xb8;
	[tilespmem:$0x1C400] =	vst v63  }
0xfd: {  	_ =	swait.ge [sflag:s14], $0x4000  }
0xfe: {  	[sflag:s14] =	ssyncset.done $0x0  }
0xff: {  	s24 =	rddreg [dreg:$0x7];
	[sflag:s14] =	ssyncadd.s32 $0xFFFFC000  }
0x100: {  	[hbm4b:s24+s2] =	stream.linear.scatter [tilespmem:s19], [sflag:$0x3], $0x4000, $0x38;
	[tilespmem:$0x1C400] =	vst v63  }
0x101: {  	_ =	swait.ge [sflag:s4], $0x4000  }
0x102: {  	[sflag:s4] =	ssyncset.done $0x0  }
0x103: {  	[sflag:s4] =	ssyncadd.s32 $0xFFFFC000  }
0x104: {  	[tilespmem:s5], [sflag:$0x1] =	stream.indirect.gather [hbm4b:s3+s13], $0x80, s16, s13, $0xb8;
	[tilespmem:$0x1C400] =	vst v63  }
0x105: {  	_ =	swait.ge [sflag:s11], $0x4000  }
0x106: {  	[sflag:s11] =	ssyncset.done $0x0  }
0x107: {  	s25 =	rddreg [dreg:$0x8];
	[sflag:s11] =	ssyncadd.s32 $0xFFFFC000  }
0x108: {  	[hbm4b:s25+s2] =	stream.linear.scatter [tilespmem:s17], [sflag:$0x4], $0x4000, $0x38;
	[tilespmem:$0x1C400] =	vst v63  }
0x109: {  	_ =	swait.ge [sflag:s15], $0x4000  }
0x10a: {  	[sflag:s15] =	ssyncset.done $0x0  }
0x10b: {  	[sflag:s15] =	ssyncadd.s32 $0xFFFFC000  }
0x10c: {  	_ =	swait.ge [sflag:s9], $0x4000  }
0x10d: {  	[sflag:s9] =	ssyncset.done $0x0  }
0x10e: {  	s26 =	rddreg [dreg:$0x9];
	[sflag:s9] =	ssyncadd.s32 $0xFFFFC000  }
0x10f: {  	[hbm4b:s26+s2] =	stream.linear.scatter [tilespmem:s12], [sflag:$0x5], $0x4000, $0x38;
	[tilespmem:$0x1C400] =	vst v63  }
0x110: {  	_ =	swait.ge [sflag:s14], $0x4000  }
0x111: {  	[sflag:s14] =	ssyncset.done $0x0  }
0x112: {  	[sflag:s14] =	ssyncadd.s32 $0xFFFFC000  }
0x113: {  	_ =	swait.ge [sflag:s7], $0x4000  }
0x114: {  	[sflag:s7] =	ssyncset.done $0x0  }
0x115: {  	s28 =	rddreg [dreg:$0xa];
	[sflag:s7] =	ssyncadd.s32 $0xFFFFC000  }
0x116: {  	[hbm4b:s28+s2] =	stream.linear.scatter [tilespmem:s10], [sflag:$0x6], $0x4000, $0x38;
	[tilespmem:$0x1C400] =	vst v63  }
0x117: {  	_ =	swait.ge [sflag:s11], $0x4000  }
0x118: {  	[sflag:s11] =	ssyncset.done $0x0  }
0x119: {  	[sflag:s11] =	ssyncadd.s32 $0xFFFFC000  }
0x11a: {  	_ =	swait.ge [sflag:s6], $0x4000  }
0x11b: {  	[sflag:s6] =	ssyncset.done $0x0  }
0x11c: {  	s29 =	rddreg [dreg:$0xb];
	[sflag:s6] =	ssyncadd.s32 $0xFFFFC000  }
0x11d: {  	[hbm4b:s29+s2] =	stream.linear.scatter [tilespmem:s8], [sflag:$0x7], $0x4000, $0x38;
	[tilespmem:$0x1C400] =	vst v63  }
0x11e: {  	_ =	swait.ge [sflag:s9], $0x4000  }
0x11f: {  	[sflag:s9] =	ssyncset.done $0x0  }
0x120: {  	[sflag:s9] =	ssyncadd.s32 $0xFFFFC000  }
0x121: {  	_ =	swait.ge [sflag:s4], $0x4000  }
0x122: {  	[sflag:s4] =	ssyncset.done $0x0  }
0x123: {  	s30 =	rddreg [dreg:$0xc];
	[sflag:s4] =	ssyncadd.s32 $0xFFFFC000  }
0x124: {  	[hbm4b:s30+s2] =	stream.linear.scatter [tilespmem:s5], [sflag:$0x1], $0x4000, $0x38;
	[tilespmem:$0x1C400] =	vst v63  }
0x125: {  	_ =	swait.ge [sflag:s7], $0x4000  }
0x126: {  	[sflag:s7] =	ssyncset.done $0x0  }
0x127: {  	[sflag:s7] =	ssyncadd.s32 $0xFFFFC000  }
0x128: {  	_ =	swait.ge [sflag:s6], $0x4000  }
0x129: {  	[sflag:s6] =	ssyncset.done $0x0  }
0x12a: {  	[sflag:s6] =	ssyncadd.s32 $0xFFFFC000  }
0x12b: {  	_ =	swait.ge [sflag:s4], $0x4000  }
0x12c: {  	[sflag:s4] =	ssyncset.done $0x0  }
0x12d: {  	[sflag:s4] =	ssyncadd.s32 $0xFFFFC000  }
0x12e: {  	_ =	sfence.sel $0x180000  }
0x12f: {  	[bflag:$0x0] =	sbarrier.arrive $0xFFFF  }
0x130: {  	_ =	strace $0x90000047  }
0x131: {  	s31 =	stileid.u32;
	[bflag:$0x2] =	sbarrier.arrive $0xFFFF  }
0x132: {  	p0 =	sne.s32 s31, $0x0;
	s0 =	rddreg [dreg:$0x4]  }
0x133: {  	s0 =	sadd.s32 @!p0 $0x100000, s0  }
0x134: {  	[sflag:s0] =	ssyncadd.tile.s32 @!p0 $0x1;
	_ =	shalt  }
.Lfunc_end2:
_tile_overlayer_lowered:
.L_overlay_start_2:
0x135: {  	(tag) =	ssettag $0x2  }
0x136: {  	s0 =	rddreg [dreg:$0x0];
	s2 =	stileid.u32  }
0x137: {  	s1 =	rddreg [dreg:$0x1];
	p0 =	sne.s32 s2, $0x0  }
0x138: {  	s3 =	rddreg [dreg:$0x2];
	[bflag:$0x3] =	sbarrier.arrive $0xFFFF;
	s2 =	simm.s32 @!p0 $0x1C08  }
0x139: {  	[timem:s3], [sflag:s2] =	dma.local @!p0 [hbm:s0], s1  }
0x13a: {  	s0 =	simm.s32 @!p0 $0x8  }
0x13b: {  	_ =	swait.ge @!p0 [sflag:s0], s1  }
0x13c: {  	s1 =	ssub.s32 @!p0 $0x0, s1;
	[sflag:s0] =	ssyncset.done @!p0 $0x0  }
0x13d: {  	[sflag:s0] =	ssyncadd.s32 @!p0 s1  }
0x13e: {  	[bflag:$0x3] =	sbarrier.arrive $0xFFFF  }
0x13f: {  	_ =	shalt  }

</sc_bundles>
